<compile_context>
chip_gen: v7x
topology: tpu7x:2x2x1
jax: 0.10.2.dev20260603
libtpu: 0.0.44.dev20260713+nightly
codegen_flags: <defaults>
</compile_context>

<pallas_src>
import functools

import jax
import jax.numpy as jnp
from jax import lax
from jax.experimental import pallas as pl
from jax.experimental.pallas import tpu as pltpu
from jax.experimental.pallas import tpu_sc as plsc

_N = 10000
_D = 256
_NP = 10240
_TRASH = 10000
_NSC = 2
_NSUB = 16
_CHUNK = _NP // _NSUB
_B = 128
_AGG_BLOCKS = 79

_mesh = plsc.VectorSubcoreMesh(core_axis_name="c", subcore_axis_name="s")


_DEG_SPLIT = 40


@functools.partial(
    pl.kernel,
    mesh=_mesh,
    out_type=jax.ShapeDtypeStruct((_NSC, _NP, 128), jnp.float32),
    scratch_types=[
        pltpu.VMEM_SHARED((_NP, 128), jnp.float32),
        pltpu.VMEM((_B,), jnp.int32),
        pltpu.VMEM((_B, 128), jnp.float32),
    ],
)
def _deg_call(dst_hbm, out_hbm, acc_sh, dstidx_v, buf_v):
    c = lax.axis_index("c")
    s = lax.axis_index("s")

    def fill(val):
        def row(i, carry):
            def lane(j, carry2):
                buf_v[i, pl.ds(j * 16, 16)] = val
                return carry2
            return lax.fori_loop(0, 8, lane, carry)
        lax.fori_loop(0, _B, row, 0)

    fill(jnp.zeros((16,), jnp.float32))

    def ini(k, carry):
        pltpu.sync_copy(buf_v, acc_sh.at[pl.ds(s * _CHUNK + k * _B, _B)])
        return carry

    lax.fori_loop(0, _CHUNK // _B, ini, 0)
    fill(jnp.ones((16,), jnp.float32))
    plsc.subcore_barrier()

    def blk(j, carry):
        pltpu.sync_copy(dst_hbm.at[s, j], dstidx_v)
        pltpu.sync_copy(buf_v, acc_sh.at[dstidx_v], add=True)
        return carry

    lax.fori_loop(c * _DEG_SPLIT,
                  _DEG_SPLIT + c * (_AGG_BLOCKS - _DEG_SPLIT), blk, 0)
    plsc.subcore_barrier()

    def fin(k, carry):
        off = s * _CHUNK + k * _B
        pltpu.sync_copy(acc_sh.at[pl.ds(off, _B)], buf_v)
        pltpu.sync_copy(buf_v, out_hbm.at[c, pl.ds(off, _B)])
        return carry

    lax.fori_loop(0, _CHUNK // _B, fin, 0)


@functools.partial(
    pl.kernel,
    mesh=_mesh,
    out_type=jax.ShapeDtypeStruct((_NSC, _NP, 128), jnp.float32),
    scratch_types=[
        pltpu.VMEM_SHARED((_NP, 128), jnp.float32),
        pltpu.VMEM((_AGG_BLOCKS * _B,), jnp.int32),
        pltpu.VMEM((_B,), jnp.int32),
        pltpu.VMEM((_B, 128), jnp.float32),
        pltpu.SemaphoreType.DMA,
    ],
)
def _agg_call(g_hbm, src_hbm, dst_hbm, out_hbm, acc_sh, srcall_v, dstidx_v,
              rows_v, sem):
    c = lax.axis_index("c")
    s = lax.axis_index("s")
    base = c * _NP

    pltpu.sync_copy(src_hbm.at[s], srcall_v)

    def addbase(i, carry):
        srcall_v[pl.ds(i * 16, 16)] = srcall_v[pl.ds(i * 16, 16)] + base
        return carry

    lax.fori_loop(0, _AGG_BLOCKS * _B // 16, addbase, 0)

    def ini(k, carry):
        off = s * _CHUNK + k * _B
        pltpu.sync_copy(g_hbm.at[pl.ds(base + off, _B)], rows_v)
        pltpu.sync_copy(rows_v, acc_sh.at[pl.ds(off, _B)])
        return carry

    lax.fori_loop(0, _CHUNK // _B, ini, 0)
    plsc.subcore_barrier()

    def blk(j, carry):
        pltpu.sync_copy(dst_hbm.at[s, j], dstidx_v)
        pltpu.async_copy(
            g_hbm.at[srcall_v.at[pl.ds(j * _B, _B)]], rows_v, sem).wait()
        pltpu.sync_copy(rows_v, acc_sh.at[dstidx_v], add=True)
        return carry

    lax.fori_loop(0, _AGG_BLOCKS, blk, 0)
    plsc.subcore_barrier()

    def fin(k, carry):
        off = s * _CHUNK + k * _B
        pltpu.sync_copy(acc_sh.at[pl.ds(off, _B)], rows_v)
        pltpu.sync_copy(rows_v, out_hbm.at[c, pl.ds(off, _B)])
        return carry

    lax.fori_loop(0, _CHUNK // _B, fin, 0)


_BLK = 2048


def _tc1_body(x_ref, w1_ref, dg0_ref, dg1_ref, g_ref, dinv_ref):
    deg = dg0_ref[0, :, :1] + dg1_ref[0, :, :1] + 1.0
    dinv = lax.rsqrt(deg)
    h = jnp.dot(x_ref[...], w1_ref[...], preferred_element_type=jnp.float32)
    g = h * dinv
    g_ref[0] = g[:, :128]
    g_ref[1] = g[:, 128:]
    dinv_ref[...] = dinv


def _tc2_body(a0_ref, a1_ref, dinv_ref, b1_ref, w2_ref, g_ref):
    dinv = dinv_ref[...]
    hin = jnp.concatenate([a0_ref[0], a1_ref[0]], axis=1)
    o1 = jnp.maximum(hin * dinv + b1_ref[...], 0.0)
    h2 = jnp.dot(o1, w2_ref[...], preferred_element_type=jnp.float32)
    g2 = h2 * dinv
    g_ref[0] = g2[:, :128]
    g_ref[1] = g2[:, 128:]


def _tc3_body(a0_ref, a1_ref, dinv_ref, b2_ref, out_ref):
    hin = jnp.concatenate([a0_ref[0], a1_ref[0]], axis=1)
    out_ref[...] = hin * dinv_ref[...] + b2_ref[...]


_tc1 = pl.pallas_call(
    _tc1_body,
    grid=(_NP // _BLK,),
    in_specs=[
        pl.BlockSpec((_BLK, _D), lambda r: (r, 0)),
        pl.BlockSpec((_D, _D), lambda r: (0, 0)),
        pl.BlockSpec((1, _BLK, 128), lambda r: (0, r, 0)),
        pl.BlockSpec((1, _BLK, 128), lambda r: (1, r, 0)),
    ],
    out_specs=[
        pl.BlockSpec((2, _BLK, 128), lambda r: (0, r, 0)),
        pl.BlockSpec((_BLK, 1), lambda r: (r, 0)),
    ],
    out_shape=[
        jax.ShapeDtypeStruct((_NSC, _NP, 128), jnp.float32),
        jax.ShapeDtypeStruct((_NP, 1), jnp.float32),
    ],
)

_tc2 = pl.pallas_call(
    _tc2_body,
    grid=(_NP // _BLK,),
    in_specs=[
        pl.BlockSpec((1, _BLK, 128), lambda r: (0, r, 0)),
        pl.BlockSpec((1, _BLK, 128), lambda r: (1, r, 0)),
        pl.BlockSpec((_BLK, 1), lambda r: (r, 0)),
        pl.BlockSpec((1, _D), lambda r: (0, 0)),
        pl.BlockSpec((_D, _D), lambda r: (0, 0)),
    ],
    out_specs=pl.BlockSpec((2, _BLK, 128), lambda r: (0, r, 0)),
    out_shape=jax.ShapeDtypeStruct((_NSC, _NP, 128), jnp.float32),
)

_tc3 = pl.pallas_call(
    _tc3_body,
    grid=(_NP // _BLK,),
    in_specs=[
        pl.BlockSpec((1, _BLK, 128), lambda r: (0, r, 0)),
        pl.BlockSpec((1, _BLK, 128), lambda r: (1, r, 0)),
        pl.BlockSpec((_BLK, 1), lambda r: (r, 0)),
        pl.BlockSpec((1, _D), lambda r: (0, 0)),
    ],
    out_specs=pl.BlockSpec((_BLK, _D), lambda r: (r, 0)),
    out_shape=jax.ShapeDtypeStruct((_N, _D), jnp.float32),
)


def kernel(x, adj, W1, b1, W2, b2):
    e = adj.shape[1]
    src = adj[0]
    dst = adj[1]

    ep = _NSUB * _AGG_BLOCKS * _B
    src_t = jnp.concatenate(
        [src, jnp.zeros((ep - e,), jnp.int32)]).reshape(
            _NSUB, _AGG_BLOCKS * _B)
    dst_t = jnp.concatenate(
        [dst, jnp.full((ep - e,), _TRASH, jnp.int32)]).reshape(
            _NSUB, _AGG_BLOCKS, _B)

    deg2 = _deg_call(dst_t)
    g1, dinv = _tc1(x, W1, deg2, deg2)
    agg1 = _agg_call(g1.reshape(_NSC * _NP, 128), src_t, dst_t)
    g2 = _tc2(agg1, agg1, dinv, b1.reshape(1, _D), W2)
    agg2 = _agg_call(g2.reshape(_NSC * _NP, 128), src_t, dst_t)
    return _tc3(agg2, agg2, dinv, b2.reshape(1, _D))

# --- scband reference (transcript-rebuilt; emitter-appended) ---
"""Pipeline reference for scband-gcn-84035330114189 (READ-ONLY COPY).

The authoritative reference and input builder live on the scoring server;
editing this copy changes nothing except your own understanding.
"""

import jax, jax.numpy as jnp
import numpy as np

N = 10000
E = 160000
D = 256


def setup_inputs(seed: int = 0) -> dict:
    key = jax.random.key(seed)
    k1, k2, k3, k4, k5, k6 = jax.random.split(key, 6)
    x = jax.random.normal(k1, (N, D), dtype=jnp.float32)
    adj = jax.random.randint(k2, (2, E), 0, N, dtype=jnp.int32)
    scale = 1.0 / np.sqrt(D)
    W1 = jax.random.normal(k3, (D, D), dtype=jnp.float32) * scale
    b1 = jnp.zeros((D,), dtype=jnp.float32)
    W2 = jax.random.normal(k4, (D, D), dtype=jnp.float32) * scale
    b2 = jnp.zeros((D,), dtype=jnp.float32)
    return {"x": x, "adj": adj, "W1": W1, "b1": b1, "W2": W2, "b2": b2}


def gcn_conv(x, src, dst, W, b):
    # GCNConv: linear transform, then sym-normalized sum aggregation (self-loops included)
    n = x.shape[0]
    h = x @ W
    deg = jnp.zeros((n,), dtype=h.dtype).at[dst].add(1.0)
    dinv = jax.lax.rsqrt(jnp.maximum(deg, 1e-12))
    norm = dinv[src] * dinv[dst]
    msg = h[src] * norm[:, None]
    out = jnp.zeros_like(h).at[dst].add(msg)
    return out + b


def reference(x, adj, W1, b1, W2, b2):
    n = x.shape[0]
    self_loop = jnp.arange(n, dtype=adj.dtype)
    src = jnp.concatenate([adj[0], self_loop])
    dst = jnp.concatenate([adj[1], self_loop])
    h = gcn_conv(x, src, dst, W1, b1)
    h = jax.nn.relu(h)
    out = gcn_conv(h, src, dst, W2, b2)
    return out

if __name__ == "__main__":
    import jax
    _d = setup_inputs()
    print(jax.jit(kernel)(*tuple(_d.values())))

</pallas_src>

<mosaic_0001>
#map = affine_map<(d0, d1) -> (0, 0)>
#map1 = affine_map<(d0, d1) -> (0, 0, 0)>
module attributes {stable_mosaic.version = 14 : i64} {
  func.func @_agg_call(%arg0: i32, %arg1: i32, %arg2: memref<20480x128xf32, #tpu.memory_space<hbm>>, %arg3: memref<16x10112xi32, #tpu.memory_space<hbm>>, %arg4: memref<16x79x128xi32, #tpu.memory_space<hbm>>, %arg5: memref<2x10240x128xf32, #tpu.memory_space<hbm>>, %arg6: memref<10240x128xf32, #tpu.memory_space<vmem_shared>>, %arg7: memref<10112xi32, #tpu.memory_space<vmem>>, %arg8: memref<128xi32, #tpu.memory_space<vmem>>, %arg9: memref<128x128xf32, #tpu.memory_space<vmem>>, %arg10: memref<!tpu.dma_semaphore, #tpu.memory_space<semaphore_mem>>) attributes {dimension_semantics = [#tpu.dimension_semantics<core_parallel>, #tpu.dimension_semantics<subcore_parallel>], iteration_bounds = array<i64: 2, 16>, scalar_prefetch = 0 : i64, scratch_operands = 5 : i64, tpu.core_type = #tpu.core_type<sc_vector_subcore>, window_params = [{transform_indices = #map}, {transform_indices = #map}, {transform_indices = #map1}, {transform_indices = #map1}]} {
    %mul3A = arith.constant 10240 : i32
    %mul3A_0 = arith.muli %arg0, %mul3A : i32
    "tpu.region"() ({
      %run_scoped3A = tpu.sem_alloc : memref<!tpu.dma_semaphore, #tpu.memory_space<semaphore_mem>>
      %dma_start3A = arith.constant 0 : i32
      %dma_start3A_25 = tpu.memref_slice %arg3[%arg1, %dma_start3A] : memref<16x10112xi32, #tpu.memory_space<hbm>> -> memref<1x10112xi32, #tpu.memory_space<hbm>>
      %dma_start3A_26 = tpu.memref_squeeze %dma_start3A_25 : memref<1x10112xi32, #tpu.memory_space<hbm>> -> memref<10112xi32, #tpu.memory_space<hbm>>
      %dma_start3A_27 = arith.constant 0 : i32
      %dma_start3A_28 = tpu.memref_slice %arg3[%arg1, %dma_start3A_27] : memref<16x10112xi32, #tpu.memory_space<hbm>> -> memref<1x10112xi32, #tpu.memory_space<hbm>>
      %dma_start3A_29 = tpu.memref_squeeze %dma_start3A_28 : memref<1x10112xi32, #tpu.memory_space<hbm>> -> memref<10112xi32, #tpu.memory_space<hbm>>
      tpu.enqueue_dma source(%dma_start3A_29 : memref<10112xi32, #tpu.memory_space<hbm>>) target(%arg7 : memref<10112xi32, #tpu.memory_space<vmem>>) target_semaphore(%run_scoped3A : memref<!tpu.dma_semaphore, #tpu.memory_space<semaphore_mem>>)
      %dma_wait3A = arith.constant 0 : i32
      %dma_wait3A_30 = tpu.memref_slice %arg3[%arg1, %dma_wait3A] : memref<16x10112xi32, #tpu.memory_space<hbm>> -> memref<1x10112xi32, #tpu.memory_space<hbm>>
      %dma_wait3A_31 = tpu.memref_squeeze %dma_wait3A_30 : memref<1x10112xi32, #tpu.memory_space<hbm>> -> memref<10112xi32, #tpu.memory_space<hbm>>
      %dma_wait3A_32 = arith.constant 0 : i32
      %dma_wait3A_33 = tpu.memref_slice %arg3[%arg1, %dma_wait3A_32] : memref<16x10112xi32, #tpu.memory_space<hbm>> -> memref<1x10112xi32, #tpu.memory_space<hbm>>
      %dma_wait3A_34 = tpu.memref_squeeze %dma_wait3A_33 : memref<1x10112xi32, #tpu.memory_space<hbm>> -> memref<10112xi32, #tpu.memory_space<hbm>>
      tpu.wait_dma2 semaphore(%run_scoped3A : memref<!tpu.dma_semaphore, #tpu.memory_space<semaphore_mem>>) src(%dma_wait3A_34 : memref<10112xi32, #tpu.memory_space<hbm>>) dst(%arg7 : memref<10112xi32, #tpu.memory_space<vmem>>)
      tpu.yield
    }) : () -> ()
    %scan3A = arith.constant 0 : i32
    %scan3A_1 = arith.constant 0 : i32
    %scan3A_2 = arith.constant 632 : i32
    %scan3A_3 = arith.addi %scan3A_1, %scan3A_2 : i32
    %scan3A_4 = arith.constant 1 : i32
    scf.for %scan3A_25 = %scan3A_1 to %scan3A_3 step %scan3A_4  : i32 {
      %mul3A_26 = arith.constant 16 : i32
      %mul3A_27 = arith.muli %scan3A_25, %mul3A_26 : i32
      %get3A = arith.index_cast %mul3A_27 : i32 to index
      %get3A_28 = tpu.vector_load %arg7[%get3A] {strides = array<i32>} : memref<10112xi32, #tpu.memory_space<vmem>>, vector<16xi32>,
      %get3A_29 = vector.shape_cast %get3A_28 : vector<16xi32> to vector<16xi32>
      %add3A = vector.broadcast %mul3A_0 : i32 to vector<16xi32>
      %add3A_30 = arith.addi %get3A_29, %add3A : vector<16xi32>
      %mul3A_31 = arith.constant 16 : i32
      %mul3A_32 = arith.muli %scan3A_25, %mul3A_31 : i32
      %swap3A = arith.index_cast %mul3A_32 : i32 to index
      %swap3A_33 = tpu.vector_load %arg7[%swap3A] {strides = array<i32>} : memref<10112xi32, #tpu.memory_space<vmem>>, vector<16xi32>,
      %swap3A_34 = vector.shape_cast %swap3A_33 : vector<16xi32> to vector<16xi32>
      %swap3A_35 = vector.shape_cast %add3A_30 : vector<16xi32> to vector<16xi32>
      tpu.vector_store %arg7[%swap3A], %swap3A_35 {strides = array<i32>} : memref<10112xi32, #tpu.memory_space<vmem>>, vector<16xi32>,
    }
    %scan3A_5 = arith.constant 632 : i32
    %scan3A_6 = arith.constant 0 : i32
    %scan3A_7 = arith.constant 0 : i32
    %scan3A_8 = arith.constant 5 : i32
    %scan3A_9 = arith.addi %scan3A_7, %scan3A_8 : i32
    %scan3A_10 = arith.constant 1 : i32
    scf.for %scan3A_25 = %scan3A_7 to %scan3A_9 step %scan3A_10  : i32 {
      %mul3A_26 = arith.constant 640 : i32
      %mul3A_27 = arith.muli %arg1, %mul3A_26 : i32
      %mul3A_28 = arith.constant 128 : i32
      %mul3A_29 = arith.muli %scan3A_25, %mul3A_28 : i32
      %add3A = arith.addi %mul3A_27, %mul3A_29 : i32
      %add3A_30 = arith.addi %mul3A_0, %add3A : i32
      "tpu.region"() ({
        %run_scoped3A = tpu.sem_alloc : memref<!tpu.dma_semaphore, #tpu.memory_space<semaphore_mem>>
        %dma_start3A = arith.constant 0 : i32
        %dma_start3A_31 = tpu.memref_slice %arg2[%add3A_30, %dma_start3A] : memref<20480x128xf32, #tpu.memory_space<hbm>> -> memref<128x128xf32, #tpu.memory_space<hbm>>
        %dma_start3A_32 = arith.constant 0 : i32
        %dma_start3A_33 = tpu.memref_slice %arg2[%add3A_30, %dma_start3A_32] : memref<20480x128xf32, #tpu.memory_space<hbm>> -> memref<128x128xf32, #tpu.memory_space<hbm>>
        tpu.enqueue_dma source(%dma_start3A_33 : memref<128x128xf32, #tpu.memory_space<hbm>>) target(%arg9 : memref<128x128xf32, #tpu.memory_space<vmem>>) target_semaphore(%run_scoped3A : memref<!tpu.dma_semaphore, #tpu.memory_space<semaphore_mem>>)
        %dma_wait3A = arith.constant 0 : i32
        %dma_wait3A_34 = tpu.memref_slice %arg2[%add3A_30, %dma_wait3A] : memref<20480x128xf32, #tpu.memory_space<hbm>> -> memref<128x128xf32, #tpu.memory_space<hbm>>
        %dma_wait3A_35 = arith.constant 0 : i32
        %dma_wait3A_36 = tpu.memref_slice %arg2[%add3A_30, %dma_wait3A_35] : memref<20480x128xf32, #tpu.memory_space<hbm>> -> memref<128x128xf32, #tpu.memory_space<hbm>>
        tpu.wait_dma2 semaphore(%run_scoped3A : memref<!tpu.dma_semaphore, #tpu.memory_space<semaphore_mem>>) src(%dma_wait3A_36 : memref<128x128xf32, #tpu.memory_space<hbm>>) dst(%arg9 : memref<128x128xf32, #tpu.memory_space<vmem>>)
        tpu.yield
      }) : () -> ()
      "tpu.region"() ({
        %run_scoped3A = tpu.sem_alloc : memref<!tpu.dma_semaphore, #tpu.memory_space<semaphore_mem>>
        %dma_start3A = arith.constant 0 : i32
        %dma_start3A_31 = tpu.memref_slice %arg6[%add3A, %dma_start3A] : memref<10240x128xf32, #tpu.memory_space<vmem_shared>> -> memref<128x128xf32, #tpu.memory_space<vmem_shared>>
        %dma_start3A_32 = arith.constant 0 : i32
        %dma_start3A_33 = tpu.memref_slice %arg6[%add3A, %dma_start3A_32] : memref<10240x128xf32, #tpu.memory_space<vmem_shared>> -> memref<128x128xf32, #tpu.memory_space<vmem_shared>>
        tpu.enqueue_dma source(%arg9 : memref<128x128xf32, #tpu.memory_space<vmem>>) target(%dma_start3A_33 : memref<128x128xf32, #tpu.memory_space<vmem_shared>>) target_semaphore(%run_scoped3A : memref<!tpu.dma_semaphore, #tpu.memory_space<semaphore_mem>>)
        %dma_wait3A = arith.constant 0 : i32
        %dma_wait3A_34 = tpu.memref_slice %arg6[%add3A, %dma_wait3A] : memref<10240x128xf32, #tpu.memory_space<vmem_shared>> -> memref<128x128xf32, #tpu.memory_space<vmem_shared>>
        %dma_wait3A_35 = arith.constant 0 : i32
        %dma_wait3A_36 = tpu.memref_slice %arg6[%add3A, %dma_wait3A_35] : memref<10240x128xf32, #tpu.memory_space<vmem_shared>> -> memref<128x128xf32, #tpu.memory_space<vmem_shared>>
        tpu.wait_dma2 semaphore(%run_scoped3A : memref<!tpu.dma_semaphore, #tpu.memory_space<semaphore_mem>>) src(%arg9 : memref<128x128xf32, #tpu.memory_space<vmem>>) dst(%dma_wait3A_36 : memref<128x128xf32, #tpu.memory_space<vmem_shared>>)
        tpu.yield
      }) : () -> ()
    }
    %scan3A_11 = arith.constant 5 : i32
    %barrier3A = arith.constant 0 : index
    tpu.barrier barrier_id(%barrier3A)
    %scan3A_12 = arith.constant 0 : i32
    %scan3A_13 = arith.constant 0 : i32
    %scan3A_14 = arith.constant 79 : i32
    %scan3A_15 = arith.addi %scan3A_13, %scan3A_14 : i32
    %scan3A_16 = arith.constant 1 : i32
    scf.for %scan3A_25 = %scan3A_13 to %scan3A_15 step %scan3A_16  : i32 {
      "tpu.region"() ({
        %run_scoped3A = tpu.sem_alloc : memref<!tpu.dma_semaphore, #tpu.memory_space<semaphore_mem>>
        %dma_start3A_34 = arith.constant 0 : i32
        %dma_start3A_35 = tpu.memref_slice %arg4[%arg1, %scan3A_25, %dma_start3A_34] : memref<16x79x128xi32, #tpu.memory_space<hbm>> -> memref<1x1x128xi32, #tpu.memory_space<hbm>>
        %dma_start3A_36 = tpu.memref_squeeze %dma_start3A_35 : memref<1x1x128xi32, #tpu.memory_space<hbm>> -> memref<128xi32, #tpu.memory_space<hbm>>
        %dma_start3A_37 = arith.constant 0 : i32
        %dma_start3A_38 = tpu.memref_slice %arg4[%arg1, %scan3A_25, %dma_start3A_37] : memref<16x79x128xi32, #tpu.memory_space<hbm>> -> memref<1x1x128xi32, #tpu.memory_space<hbm>>
        %dma_start3A_39 = tpu.memref_squeeze %dma_start3A_38 : memref<1x1x128xi32, #tpu.memory_space<hbm>> -> memref<128xi32, #tpu.memory_space<hbm>>
        tpu.enqueue_dma source(%dma_start3A_39 : memref<128xi32, #tpu.memory_space<hbm>>) target(%arg8 : memref<128xi32, #tpu.memory_space<vmem>>) target_semaphore(%run_scoped3A : memref<!tpu.dma_semaphore, #tpu.memory_space<semaphore_mem>>)
        %dma_wait3A_40 = arith.constant 0 : i32
        %dma_wait3A_41 = tpu.memref_slice %arg4[%arg1, %scan3A_25, %dma_wait3A_40] : memref<16x79x128xi32, #tpu.memory_space<hbm>> -> memref<1x1x128xi32, #tpu.memory_space<hbm>>
        %dma_wait3A_42 = tpu.memref_squeeze %dma_wait3A_41 : memref<1x1x128xi32, #tpu.memory_space<hbm>> -> memref<128xi32, #tpu.memory_space<hbm>>
        %dma_wait3A_43 = arith.constant 0 : i32
        %dma_wait3A_44 = tpu.memref_slice %arg4[%arg1, %scan3A_25, %dma_wait3A_43] : memref<16x79x128xi32, #tpu.memory_space<hbm>> -> memref<1x1x128xi32, #tpu.memory_space<hbm>>
        %dma_wait3A_45 = tpu.memref_squeeze %dma_wait3A_44 : memref<1x1x128xi32, #tpu.memory_space<hbm>> -> memref<128xi32, #tpu.memory_space<hbm>>
        tpu.wait_dma2 semaphore(%run_scoped3A : memref<!tpu.dma_semaphore, #tpu.memory_space<semaphore_mem>>) src(%dma_wait3A_45 : memref<128xi32, #tpu.memory_space<hbm>>) dst(%arg8 : memref<128xi32, #tpu.memory_space<vmem>>)
        tpu.yield
      }) : () -> ()
      %mul3A_26 = arith.constant 128 : i32
      %mul3A_27 = arith.muli %scan3A_25, %mul3A_26 : i32
      %dma_start3A = tpu.memref_slice %arg7[%mul3A_27] : memref<10112xi32, #tpu.memory_space<vmem>> -> memref<128xi32, #tpu.memory_space<vmem>>
      %dma_start3A_28 = arith.constant 0 : i32
      %dma_start3A_29 = arith.constant 0 : i32
      %dma_start3A_30 = tpu.memref_slice %arg2[%dma_start3A_28, %dma_start3A_29] : memref<20480x128xf32, #tpu.memory_space<hbm>> -> memref<20480x128xf32, #tpu.memory_space<hbm>>
      tpu.enqueue_indirect_dma source(%dma_start3A_30 : memref<20480x128xf32, #tpu.memory_space<hbm>>) target(%arg9 : memref<128x128xf32, #tpu.memory_space<vmem>>) offsets(%dma_start3A : memref<128xi32, #tpu.memory_space<vmem>>) semaphore(%arg10 : memref<!tpu.dma_semaphore, #tpu.memory_space<semaphore_mem>>)
      %dma_wait3A = tpu.memref_slice %arg7[%mul3A_27] : memref<10112xi32, #tpu.memory_space<vmem>> -> memref<128xi32, #tpu.memory_space<vmem>>
      %dma_wait3A_31 = arith.constant 0 : i32
      %dma_wait3A_32 = arith.constant 0 : i32
      %dma_wait3A_33 = tpu.memref_slice %arg2[%dma_wait3A_31, %dma_wait3A_32] : memref<20480x128xf32, #tpu.memory_space<hbm>> -> memref<20480x128xf32, #tpu.memory_space<hbm>>
      tpu.wait_indirect_dma semaphore(%arg10 : memref<!tpu.dma_semaphore, #tpu.memory_space<semaphore_mem>>) src(%dma_wait3A_33 : memref<20480x128xf32, #tpu.memory_space<hbm>>) dst(%arg9 : memref<128x128xf32, #tpu.memory_space<vmem>>)
      "tpu.region"() ({
        %run_scoped3A = tpu.sem_alloc : memref<!tpu.dma_semaphore, #tpu.memory_space<semaphore_mem>>
        %dma_start3A_34 = arith.constant 0 : i32
        %dma_start3A_35 = arith.constant 0 : i32
        %dma_start3A_36 = tpu.memref_slice %arg6[%dma_start3A_34, %dma_start3A_35] : memref<10240x128xf32, #tpu.memory_space<vmem_shared>> -> memref<10240x128xf32, #tpu.memory_space<vmem_shared>>
        tpu.enqueue_indirect_dma source(%arg9 : memref<128x128xf32, #tpu.memory_space<vmem>>) target(%dma_start3A_36 : memref<10240x128xf32, #tpu.memory_space<vmem_shared>>) offsets(%arg8 : memref<128xi32, #tpu.memory_space<vmem>>) semaphore(%run_scoped3A : memref<!tpu.dma_semaphore, #tpu.memory_space<semaphore_mem>>) {add = true}
        %dma_wait3A_37 = arith.constant 0 : i32
        %dma_wait3A_38 = arith.constant 0 : i32
        %dma_wait3A_39 = tpu.memref_slice %arg6[%dma_wait3A_37, %dma_wait3A_38] : memref<10240x128xf32, #tpu.memory_space<vmem_shared>> -> memref<10240x128xf32, #tpu.memory_space<vmem_shared>>
        tpu.wait_indirect_dma semaphore(%run_scoped3A : memref<!tpu.dma_semaphore, #tpu.memory_space<semaphore_mem>>) src(%arg9 : memref<128x128xf32, #tpu.memory_space<vmem>>) dst(%dma_wait3A_39 : memref<10240x128xf32, #tpu.memory_space<vmem_shared>>)
        tpu.yield
      }) : () -> ()
    }
    %scan3A_17 = arith.constant 79 : i32
    %barrier3A_18 = arith.constant 0 : index
    tpu.barrier barrier_id(%barrier3A_18)
    %scan3A_19 = arith.constant 0 : i32
    %scan3A_20 = arith.constant 0 : i32
    %scan3A_21 = arith.constant 5 : i32
    %scan3A_22 = arith.addi %scan3A_20, %scan3A_21 : i32
    %scan3A_23 = arith.constant 1 : i32
    scf.for %scan3A_25 = %scan3A_20 to %scan3A_22 step %scan3A_23  : i32 {
      %mul3A_26 = arith.constant 640 : i32
      %mul3A_27 = arith.muli %arg1, %mul3A_26 : i32
      %mul3A_28 = arith.constant 128 : i32
      %mul3A_29 = arith.muli %scan3A_25, %mul3A_28 : i32
      %add3A = arith.addi %mul3A_27, %mul3A_29 : i32
      "tpu.region"() ({
        %run_scoped3A = tpu.sem_alloc : memref<!tpu.dma_semaphore, #tpu.memory_space<semaphore_mem>>
        %dma_start3A = arith.constant 0 : i32
        %dma_start3A_30 = tpu.memref_slice %arg6[%add3A, %dma_start3A] : memref<10240x128xf32, #tpu.memory_space<vmem_shared>> -> memref<128x128xf32, #tpu.memory_space<vmem_shared>>
        %dma_start3A_31 = arith.constant 0 : i32
        %dma_start3A_32 = tpu.memref_slice %arg6[%add3A, %dma_start3A_31] : memref<10240x128xf32, #tpu.memory_space<vmem_shared>> -> memref<128x128xf32, #tpu.memory_space<vmem_shared>>
        tpu.enqueue_dma source(%dma_start3A_32 : memref<128x128xf32, #tpu.memory_space<vmem_shared>>) target(%arg9 : memref<128x128xf32, #tpu.memory_space<vmem>>) target_semaphore(%run_scoped3A : memref<!tpu.dma_semaphore, #tpu.memory_space<semaphore_mem>>)
        %dma_wait3A = arith.constant 0 : i32
        %dma_wait3A_33 = tpu.memref_slice %arg6[%add3A, %dma_wait3A] : memref<10240x128xf32, #tpu.memory_space<vmem_shared>> -> memref<128x128xf32, #tpu.memory_space<vmem_shared>>
        %dma_wait3A_34 = arith.constant 0 : i32
        %dma_wait3A_35 = tpu.memref_slice %arg6[%add3A, %dma_wait3A_34] : memref<10240x128xf32, #tpu.memory_space<vmem_shared>> -> memref<128x128xf32, #tpu.memory_space<vmem_shared>>
        tpu.wait_dma2 semaphore(%run_scoped3A : memref<!tpu.dma_semaphore, #tpu.memory_space<semaphore_mem>>) src(%dma_wait3A_35 : memref<128x128xf32, #tpu.memory_space<vmem_shared>>) dst(%arg9 : memref<128x128xf32, #tpu.memory_space<vmem>>)
        tpu.yield
      }) : () -> ()
      "tpu.region"() ({
        %run_scoped3A = tpu.sem_alloc : memref<!tpu.dma_semaphore, #tpu.memory_space<semaphore_mem>>
        %dma_start3A = arith.constant 0 : i32
        %dma_start3A_30 = tpu.memref_slice %arg5[%arg0, %add3A, %dma_start3A] : memref<2x10240x128xf32, #tpu.memory_space<hbm>> -> memref<1x128x128xf32, #tpu.memory_space<hbm>>
        %dma_start3A_31 = tpu.memref_squeeze %dma_start3A_30 : memref<1x128x128xf32, #tpu.memory_space<hbm>> -> memref<128x128xf32, #tpu.memory_space<hbm>>
        %dma_start3A_32 = arith.constant 0 : i32
        %dma_start3A_33 = tpu.memref_slice %arg5[%arg0, %add3A, %dma_start3A_32] : memref<2x10240x128xf32, #tpu.memory_space<hbm>> -> memref<1x128x128xf32, #tpu.memory_space<hbm>>
        %dma_start3A_34 = tpu.memref_squeeze %dma_start3A_33 : memref<1x128x128xf32, #tpu.memory_space<hbm>> -> memref<128x128xf32, #tpu.memory_space<hbm>>
        tpu.enqueue_dma source(%arg9 : memref<128x128xf32, #tpu.memory_space<vmem>>) target(%dma_start3A_34 : memref<128x128xf32, #tpu.memory_space<hbm>>) target_semaphore(%run_scoped3A : memref<!tpu.dma_semaphore, #tpu.memory_space<semaphore_mem>>)
        %dma_wait3A = arith.constant 0 : i32
        %dma_wait3A_35 = tpu.memref_slice %arg5[%arg0, %add3A, %dma_wait3A] : memref<2x10240x128xf32, #tpu.memory_space<hbm>> -> memref<1x128x128xf32, #tpu.memory_space<hbm>>
        %dma_wait3A_36 = tpu.memref_squeeze %dma_wait3A_35 : memref<1x128x128xf32, #tpu.memory_space<hbm>> -> memref<128x128xf32, #tpu.memory_space<hbm>>
        %dma_wait3A_37 = arith.constant 0 : i32
        %dma_wait3A_38 = tpu.memref_slice %arg5[%arg0, %add3A, %dma_wait3A_37] : memref<2x10240x128xf32, #tpu.memory_space<hbm>> -> memref<1x128x128xf32, #tpu.memory_space<hbm>>
        %dma_wait3A_39 = tpu.memref_squeeze %dma_wait3A_38 : memref<1x128x128xf32, #tpu.memory_space<hbm>> -> memref<128x128xf32, #tpu.memory_space<hbm>>
        tpu.wait_dma2 semaphore(%run_scoped3A : memref<!tpu.dma_semaphore, #tpu.memory_space<semaphore_mem>>) src(%arg9 : memref<128x128xf32, #tpu.memory_space<vmem>>) dst(%dma_wait3A_39 : memref<128x128xf32, #tpu.memory_space<hbm>>)
        tpu.yield
      }) : () -> ()
    }
    %scan3A_24 = arith.constant 5 : i32
    return
  }
}

#map = affine_map<(d0, d1) -> (0, 0, 0)>
module attributes {stable_mosaic.version = 14 : i64} {
  func.func @_deg_call(%arg0: i32, %arg1: i32, %arg2: memref<16x79x128xi32, #tpu.memory_space<hbm>>, %arg3: memref<2x10240x128xf32, #tpu.memory_space<hbm>>, %arg4: memref<10240x128xf32, #tpu.memory_space<vmem_shared>>, %arg5: memref<128xi32, #tpu.memory_space<vmem>>, %arg6: memref<128x128xf32, #tpu.memory_space<vmem>>) attributes {dimension_semantics = [#tpu.dimension_semantics<core_parallel>, #tpu.dimension_semantics<subcore_parallel>], iteration_bounds = array<i64: 2, 16>, scalar_prefetch = 0 : i64, scratch_operands = 3 : i64, tpu.core_type = #tpu.core_type<sc_vector_subcore>, window_params = [{transform_indices = #map}, {transform_indices = #map}]} {
    %broadcast_in_dim3A = arith.constant 0.000000e+00 : f32
    %broadcast_in_dim3A_0 = vector.broadcast %broadcast_in_dim3A : f32 to vector<16xf32>
    %scan3A = arith.constant 0 : i32
    %scan3A_1 = arith.constant 0 : i32
    %scan3A_2 = arith.constant 128 : i32
    %scan3A_3 = arith.addi %scan3A_1, %scan3A_2 : i32
    %scan3A_4 = arith.constant 1 : i32
    scf.for %scan3A_39 = %scan3A_1 to %scan3A_3 step %scan3A_4  : i32 {
      %scan3A_40 = arith.constant 0 : i32
      %scan3A_41 = arith.constant 8 : i32
      %scan3A_42 = arith.addi %scan3A_40, %scan3A_41 : i32
      %scan3A_43 = arith.constant 1 : i32
      scf.for %scan3A_45 = %scan3A_40 to %scan3A_42 step %scan3A_43  : i32 {
        %mul3A_46 = arith.constant 16 : i32
        %mul3A_47 = arith.muli %scan3A_45, %mul3A_46 : i32
        %swap3A = arith.index_cast %scan3A_39 : i32 to index
        %swap3A_48 = arith.index_cast %mul3A_47 : i32 to index
        %swap3A_49 = tpu.vector_load %arg6[%swap3A, %swap3A_48] {strides = array<i32>} : memref<128x128xf32, #tpu.memory_space<vmem>>, vector<1x16xf32>,
        %swap3A_50 = vector.shape_cast %swap3A_49 : vector<1x16xf32> to vector<16xf32>
        %swap3A_51 = vector.shape_cast %broadcast_in_dim3A_0 : vector<16xf32> to vector<1x16xf32>
        tpu.vector_store %arg6[%swap3A, %swap3A_48], %swap3A_51 {strides = array<i32>} : memref<128x128xf32, #tpu.memory_space<vmem>>, vector<1x16xf32>,
      }
      %scan3A_44 = arith.constant 8 : i32
    }
    %scan3A_5 = arith.constant 128 : i32
    %scan3A_6 = arith.constant 0 : i32
    %scan3A_7 = arith.constant 0 : i32
    %scan3A_8 = arith.constant 5 : i32
    %scan3A_9 = arith.addi %scan3A_7, %scan3A_8 : i32
    %scan3A_10 = arith.constant 1 : i32
    scf.for %scan3A_39 = %scan3A_7 to %scan3A_9 step %scan3A_10  : i32 {
      %mul3A_40 = arith.constant 640 : i32
      %mul3A_41 = arith.muli %arg1, %mul3A_40 : i32
      %mul3A_42 = arith.constant 128 : i32
      %mul3A_43 = arith.muli %scan3A_39, %mul3A_42 : i32
      %add3A_44 = arith.addi %mul3A_41, %mul3A_43 : i32
      "tpu.region"() ({
        %run_scoped3A = tpu.sem_alloc : memref<!tpu.dma_semaphore, #tpu.memory_space<semaphore_mem>>
        %dma_start3A = arith.constant 0 : i32
        %dma_start3A_45 = tpu.memref_slice %arg4[%add3A_44, %dma_start3A] : memref<10240x128xf32, #tpu.memory_space<vmem_shared>> -> memref<128x128xf32, #tpu.memory_space<vmem_shared>>
        %dma_start3A_46 = arith.constant 0 : i32
        %dma_start3A_47 = tpu.memref_slice %arg4[%add3A_44, %dma_start3A_46] : memref<10240x128xf32, #tpu.memory_space<vmem_shared>> -> memref<128x128xf32, #tpu.memory_space<vmem_shared>>
        tpu.enqueue_dma source(%arg6 : memref<128x128xf32, #tpu.memory_space<vmem>>) target(%dma_start3A_47 : memref<128x128xf32, #tpu.memory_space<vmem_shared>>) target_semaphore(%run_scoped3A : memref<!tpu.dma_semaphore, #tpu.memory_space<semaphore_mem>>)
        %dma_wait3A = arith.constant 0 : i32
        %dma_wait3A_48 = tpu.memref_slice %arg4[%add3A_44, %dma_wait3A] : memref<10240x128xf32, #tpu.memory_space<vmem_shared>> -> memref<128x128xf32, #tpu.memory_space<vmem_shared>>
        %dma_wait3A_49 = arith.constant 0 : i32
        %dma_wait3A_50 = tpu.memref_slice %arg4[%add3A_44, %dma_wait3A_49] : memref<10240x128xf32, #tpu.memory_space<vmem_shared>> -> memref<128x128xf32, #tpu.memory_space<vmem_shared>>
        tpu.wait_dma2 semaphore(%run_scoped3A : memref<!tpu.dma_semaphore, #tpu.memory_space<semaphore_mem>>) src(%arg6 : memref<128x128xf32, #tpu.memory_space<vmem>>) dst(%dma_wait3A_50 : memref<128x128xf32, #tpu.memory_space<vmem_shared>>)
        tpu.yield
      }) : () -> ()
    }
    %scan3A_11 = arith.constant 5 : i32
    %broadcast_in_dim3A_12 = arith.constant 1.000000e+00 : f32
    %broadcast_in_dim3A_13 = vector.broadcast %broadcast_in_dim3A_12 : f32 to vector<16xf32>
    %scan3A_14 = arith.constant 0 : i32
    %scan3A_15 = arith.constant 0 : i32
    %scan3A_16 = arith.constant 128 : i32
    %scan3A_17 = arith.addi %scan3A_15, %scan3A_16 : i32
    %scan3A_18 = arith.constant 1 : i32
    scf.for %scan3A_39 = %scan3A_15 to %scan3A_17 step %scan3A_18  : i32 {
      %scan3A_40 = arith.constant 0 : i32
      %scan3A_41 = arith.constant 8 : i32
      %scan3A_42 = arith.addi %scan3A_40, %scan3A_41 : i32
      %scan3A_43 = arith.constant 1 : i32
      scf.for %scan3A_45 = %scan3A_40 to %scan3A_42 step %scan3A_43  : i32 {
        %mul3A_46 = arith.constant 16 : i32
        %mul3A_47 = arith.muli %scan3A_45, %mul3A_46 : i32
        %swap3A = arith.index_cast %scan3A_39 : i32 to index
        %swap3A_48 = arith.index_cast %mul3A_47 : i32 to index
        %swap3A_49 = tpu.vector_load %arg6[%swap3A, %swap3A_48] {strides = array<i32>} : memref<128x128xf32, #tpu.memory_space<vmem>>, vector<1x16xf32>,
        %swap3A_50 = vector.shape_cast %swap3A_49 : vector<1x16xf32> to vector<16xf32>
        %swap3A_51 = vector.shape_cast %broadcast_in_dim3A_13 : vector<16xf32> to vector<1x16xf32>
        tpu.vector_store %arg6[%swap3A, %swap3A_48], %swap3A_51 {strides = array<i32>} : memref<128x128xf32, #tpu.memory_space<vmem>>, vector<1x16xf32>,
      }
      %scan3A_44 = arith.constant 8 : i32
    }
    %scan3A_19 = arith.constant 128 : i32
    %barrier3A = arith.constant 0 : index
    tpu.barrier barrier_id(%barrier3A)
    %mul3A = arith.constant 40 : i32
    %mul3A_20 = arith.muli %arg0, %mul3A : i32
    %mul3A_21 = arith.constant 39 : i32
    %mul3A_22 = arith.muli %arg0, %mul3A_21 : i32
    %add3A = arith.constant 40 : i32
    %add3A_23 = arith.addi %add3A, %mul3A_22 : i32
    %while3A = arith.constant 0 : i32
    %while3A_24 = arith.subi %add3A_23, %mul3A_20 : i32
    %while3A_25 = arith.addi %mul3A_20, %while3A_24 : i32
    %while3A_26 = arith.constant 1 : i32
    %while3A_27 = arith.divsi %while3A_24, %while3A_26 : i32
    %while3A_28 = arith.muli %while3A_27, %while3A_26 : i32
    %while3A_29 = arith.addi %mul3A_20, %while3A_28 : i32
    %while3A_30 = arith.constant 1 : i32
    scf.for %while3A_39 = %mul3A_20 to %while3A_29 step %while3A_30  : i32 {
      "tpu.region"() ({
        %run_scoped3A = tpu.sem_alloc : memref<!tpu.dma_semaphore, #tpu.memory_space<semaphore_mem>>
        %dma_start3A = arith.constant 0 : i32
        %dma_start3A_40 = tpu.memref_slice %arg2[%arg1, %while3A_39, %dma_start3A] : memref<16x79x128xi32, #tpu.memory_space<hbm>> -> memref<1x1x128xi32, #tpu.memory_space<hbm>>
        %dma_start3A_41 = tpu.memref_squeeze %dma_start3A_40 : memref<1x1x128xi32, #tpu.memory_space<hbm>> -> memref<128xi32, #tpu.memory_space<hbm>>
        %dma_start3A_42 = arith.constant 0 : i32
        %dma_start3A_43 = tpu.memref_slice %arg2[%arg1, %while3A_39, %dma_start3A_42] : memref<16x79x128xi32, #tpu.memory_space<hbm>> -> memref<1x1x128xi32, #tpu.memory_space<hbm>>
        %dma_start3A_44 = tpu.memref_squeeze %dma_start3A_43 : memref<1x1x128xi32, #tpu.memory_space<hbm>> -> memref<128xi32, #tpu.memory_space<hbm>>
        tpu.enqueue_dma source(%dma_start3A_44 : memref<128xi32, #tpu.memory_space<hbm>>) target(%arg5 : memref<128xi32, #tpu.memory_space<vmem>>) target_semaphore(%run_scoped3A : memref<!tpu.dma_semaphore, #tpu.memory_space<semaphore_mem>>)
        %dma_wait3A = arith.constant 0 : i32
        %dma_wait3A_45 = tpu.memref_slice %arg2[%arg1, %while3A_39, %dma_wait3A] : memref<16x79x128xi32, #tpu.memory_space<hbm>> -> memref<1x1x128xi32, #tpu.memory_space<hbm>>
        %dma_wait3A_46 = tpu.memref_squeeze %dma_wait3A_45 : memref<1x1x128xi32, #tpu.memory_space<hbm>> -> memref<128xi32, #tpu.memory_space<hbm>>
        %dma_wait3A_47 = arith.constant 0 : i32
        %dma_wait3A_48 = tpu.memref_slice %arg2[%arg1, %while3A_39, %dma_wait3A_47] : memref<16x79x128xi32, #tpu.memory_space<hbm>> -> memref<1x1x128xi32, #tpu.memory_space<hbm>>
        %dma_wait3A_49 = tpu.memref_squeeze %dma_wait3A_48 : memref<1x1x128xi32, #tpu.memory_space<hbm>> -> memref<128xi32, #tpu.memory_space<hbm>>
        tpu.wait_dma2 semaphore(%run_scoped3A : memref<!tpu.dma_semaphore, #tpu.memory_space<semaphore_mem>>) src(%dma_wait3A_49 : memref<128xi32, #tpu.memory_space<hbm>>) dst(%arg5 : memref<128xi32, #tpu.memory_space<vmem>>)
        tpu.yield
      }) : () -> ()
      "tpu.region"() ({
        %run_scoped3A = tpu.sem_alloc : memref<!tpu.dma_semaphore, #tpu.memory_space<semaphore_mem>>
        %dma_start3A = arith.constant 0 : i32
        %dma_start3A_40 = arith.constant 0 : i32
        %dma_start3A_41 = tpu.memref_slice %arg4[%dma_start3A, %dma_start3A_40] : memref<10240x128xf32, #tpu.memory_space<vmem_shared>> -> memref<10240x128xf32, #tpu.memory_space<vmem_shared>>
        tpu.enqueue_indirect_dma source(%arg6 : memref<128x128xf32, #tpu.memory_space<vmem>>) target(%dma_start3A_41 : memref<10240x128xf32, #tpu.memory_space<vmem_shared>>) offsets(%arg5 : memref<128xi32, #tpu.memory_space<vmem>>) semaphore(%run_scoped3A : memref<!tpu.dma_semaphore, #tpu.memory_space<semaphore_mem>>) {add = true}
        %dma_wait3A = arith.constant 0 : i32
        %dma_wait3A_42 = arith.constant 0 : i32
        %dma_wait3A_43 = tpu.memref_slice %arg4[%dma_wait3A, %dma_wait3A_42] : memref<10240x128xf32, #tpu.memory_space<vmem_shared>> -> memref<10240x128xf32, #tpu.memory_space<vmem_shared>>
        tpu.wait_indirect_dma semaphore(%run_scoped3A : memref<!tpu.dma_semaphore, #tpu.memory_space<semaphore_mem>>) src(%arg6 : memref<128x128xf32, #tpu.memory_space<vmem>>) dst(%dma_wait3A_43 : memref<10240x128xf32, #tpu.memory_space<vmem_shared>>)
        tpu.yield
      }) : () -> ()
    }
    %while3A_31 = arith.constant 1 : i32
    scf.for %while3A_39 = %while3A_29 to %while3A_25 step %while3A_31  : i32 {
      "tpu.region"() ({
        %run_scoped3A = tpu.sem_alloc : memref<!tpu.dma_semaphore, #tpu.memory_space<semaphore_mem>>
        %dma_start3A = arith.constant 0 : i32
        %dma_start3A_40 = tpu.memref_slice %arg2[%arg1, %while3A_39, %dma_start3A] : memref<16x79x128xi32, #tpu.memory_space<hbm>> -> memref<1x1x128xi32, #tpu.memory_space<hbm>>
        %dma_start3A_41 = tpu.memref_squeeze %dma_start3A_40 : memref<1x1x128xi32, #tpu.memory_space<hbm>> -> memref<128xi32, #tpu.memory_space<hbm>>
        %dma_start3A_42 = arith.constant 0 : i32
        %dma_start3A_43 = tpu.memref_slice %arg2[%arg1, %while3A_39, %dma_start3A_42] : memref<16x79x128xi32, #tpu.memory_space<hbm>> -> memref<1x1x128xi32, #tpu.memory_space<hbm>>
        %dma_start3A_44 = tpu.memref_squeeze %dma_start3A_43 : memref<1x1x128xi32, #tpu.memory_space<hbm>> -> memref<128xi32, #tpu.memory_space<hbm>>
        tpu.enqueue_dma source(%dma_start3A_44 : memref<128xi32, #tpu.memory_space<hbm>>) target(%arg5 : memref<128xi32, #tpu.memory_space<vmem>>) target_semaphore(%run_scoped3A : memref<!tpu.dma_semaphore, #tpu.memory_space<semaphore_mem>>)
        %dma_wait3A = arith.constant 0 : i32
        %dma_wait3A_45 = tpu.memref_slice %arg2[%arg1, %while3A_39, %dma_wait3A] : memref<16x79x128xi32, #tpu.memory_space<hbm>> -> memref<1x1x128xi32, #tpu.memory_space<hbm>>
        %dma_wait3A_46 = tpu.memref_squeeze %dma_wait3A_45 : memref<1x1x128xi32, #tpu.memory_space<hbm>> -> memref<128xi32, #tpu.memory_space<hbm>>
        %dma_wait3A_47 = arith.constant 0 : i32
        %dma_wait3A_48 = tpu.memref_slice %arg2[%arg1, %while3A_39, %dma_wait3A_47] : memref<16x79x128xi32, #tpu.memory_space<hbm>> -> memref<1x1x128xi32, #tpu.memory_space<hbm>>
        %dma_wait3A_49 = tpu.memref_squeeze %dma_wait3A_48 : memref<1x1x128xi32, #tpu.memory_space<hbm>> -> memref<128xi32, #tpu.memory_space<hbm>>
        tpu.wait_dma2 semaphore(%run_scoped3A : memref<!tpu.dma_semaphore, #tpu.memory_space<semaphore_mem>>) src(%dma_wait3A_49 : memref<128xi32, #tpu.memory_space<hbm>>) dst(%arg5 : memref<128xi32, #tpu.memory_space<vmem>>)
        tpu.yield
      }) : () -> ()
      "tpu.region"() ({
        %run_scoped3A = tpu.sem_alloc : memref<!tpu.dma_semaphore, #tpu.memory_space<semaphore_mem>>
        %dma_start3A = arith.constant 0 : i32
        %dma_start3A_40 = arith.constant 0 : i32
        %dma_start3A_41 = tpu.memref_slice %arg4[%dma_start3A, %dma_start3A_40] : memref<10240x128xf32, #tpu.memory_space<vmem_shared>> -> memref<10240x128xf32, #tpu.memory_space<vmem_shared>>
        tpu.enqueue_indirect_dma source(%arg6 : memref<128x128xf32, #tpu.memory_space<vmem>>) target(%dma_start3A_41 : memref<10240x128xf32, #tpu.memory_space<vmem_shared>>) offsets(%arg5 : memref<128xi32, #tpu.memory_space<vmem>>) semaphore(%run_scoped3A : memref<!tpu.dma_semaphore, #tpu.memory_space<semaphore_mem>>) {add = true}
        %dma_wait3A = arith.constant 0 : i32
        %dma_wait3A_42 = arith.constant 0 : i32
        %dma_wait3A_43 = tpu.memref_slice %arg4[%dma_wait3A, %dma_wait3A_42] : memref<10240x128xf32, #tpu.memory_space<vmem_shared>> -> memref<10240x128xf32, #tpu.memory_space<vmem_shared>>
        tpu.wait_indirect_dma semaphore(%run_scoped3A : memref<!tpu.dma_semaphore, #tpu.memory_space<semaphore_mem>>) src(%arg6 : memref<128x128xf32, #tpu.memory_space<vmem>>) dst(%dma_wait3A_43 : memref<10240x128xf32, #tpu.memory_space<vmem_shared>>)
        tpu.yield
      }) : () -> ()
    }
    %barrier3A_32 = arith.constant 0 : index
    tpu.barrier barrier_id(%barrier3A_32)
    %scan3A_33 = arith.constant 0 : i32
    %scan3A_34 = arith.constant 0 : i32
    %scan3A_35 = arith.constant 5 : i32
    %scan3A_36 = arith.addi %scan3A_34, %scan3A_35 : i32
    %scan3A_37 = arith.constant 1 : i32
    scf.for %scan3A_39 = %scan3A_34 to %scan3A_36 step %scan3A_37  : i32 {
      %mul3A_40 = arith.constant 640 : i32
      %mul3A_41 = arith.muli %arg1, %mul3A_40 : i32
      %mul3A_42 = arith.constant 128 : i32
      %mul3A_43 = arith.muli %scan3A_39, %mul3A_42 : i32
      %add3A_44 = arith.addi %mul3A_41, %mul3A_43 : i32
      "tpu.region"() ({
        %run_scoped3A = tpu.sem_alloc : memref<!tpu.dma_semaphore, #tpu.memory_space<semaphore_mem>>
        %dma_start3A = arith.constant 0 : i32
        %dma_start3A_45 = tpu.memref_slice %arg4[%add3A_44, %dma_start3A] : memref<10240x128xf32, #tpu.memory_space<vmem_shared>> -> memref<128x128xf32, #tpu.memory_space<vmem_shared>>
        %dma_start3A_46 = arith.constant 0 : i32
        %dma_start3A_47 = tpu.memref_slice %arg4[%add3A_44, %dma_start3A_46] : memref<10240x128xf32, #tpu.memory_space<vmem_shared>> -> memref<128x128xf32, #tpu.memory_space<vmem_shared>>
        tpu.enqueue_dma source(%dma_start3A_47 : memref<128x128xf32, #tpu.memory_space<vmem_shared>>) target(%arg6 : memref<128x128xf32, #tpu.memory_space<vmem>>) target_semaphore(%run_scoped3A : memref<!tpu.dma_semaphore, #tpu.memory_space<semaphore_mem>>)
        %dma_wait3A = arith.constant 0 : i32
        %dma_wait3A_48 = tpu.memref_slice %arg4[%add3A_44, %dma_wait3A] : memref<10240x128xf32, #tpu.memory_space<vmem_shared>> -> memref<128x128xf32, #tpu.memory_space<vmem_shared>>
        %dma_wait3A_49 = arith.constant 0 : i32
        %dma_wait3A_50 = tpu.memref_slice %arg4[%add3A_44, %dma_wait3A_49] : memref<10240x128xf32, #tpu.memory_space<vmem_shared>> -> memref<128x128xf32, #tpu.memory_space<vmem_shared>>
        tpu.wait_dma2 semaphore(%run_scoped3A : memref<!tpu.dma_semaphore, #tpu.memory_space<semaphore_mem>>) src(%dma_wait3A_50 : memref<128x128xf32, #tpu.memory_space<vmem_shared>>) dst(%arg6 : memref<128x128xf32, #tpu.memory_space<vmem>>)
        tpu.yield
      }) : () -> ()
      "tpu.region"() ({
        %run_scoped3A = tpu.sem_alloc : memref<!tpu.dma_semaphore, #tpu.memory_space<semaphore_mem>>
        %dma_start3A = arith.constant 0 : i32
        %dma_start3A_45 = tpu.memref_slice %arg3[%arg0, %add3A_44, %dma_start3A] : memref<2x10240x128xf32, #tpu.memory_space<hbm>> -> memref<1x128x128xf32, #tpu.memory_space<hbm>>
        %dma_start3A_46 = tpu.memref_squeeze %dma_start3A_45 : memref<1x128x128xf32, #tpu.memory_space<hbm>> -> memref<128x128xf32, #tpu.memory_space<hbm>>
        %dma_start3A_47 = arith.constant 0 : i32
        %dma_start3A_48 = tpu.memref_slice %arg3[%arg0, %add3A_44, %dma_start3A_47] : memref<2x10240x128xf32, #tpu.memory_space<hbm>> -> memref<1x128x128xf32, #tpu.memory_space<hbm>>
        %dma_start3A_49 = tpu.memref_squeeze %dma_start3A_48 : memref<1x128x128xf32, #tpu.memory_space<hbm>> -> memref<128x128xf32, #tpu.memory_space<hbm>>
        tpu.enqueue_dma source(%arg6 : memref<128x128xf32, #tpu.memory_space<vmem>>) target(%dma_start3A_49 : memref<128x128xf32, #tpu.memory_space<hbm>>) target_semaphore(%run_scoped3A : memref<!tpu.dma_semaphore, #tpu.memory_space<semaphore_mem>>)
        %dma_wait3A = arith.constant 0 : i32
        %dma_wait3A_50 = tpu.memref_slice %arg3[%arg0, %add3A_44, %dma_wait3A] : memref<2x10240x128xf32, #tpu.memory_space<hbm>> -> memref<1x128x128xf32, #tpu.memory_space<hbm>>
        %dma_wait3A_51 = tpu.memref_squeeze %dma_wait3A_50 : memref<1x128x128xf32, #tpu.memory_space<hbm>> -> memref<128x128xf32, #tpu.memory_space<hbm>>
        %dma_wait3A_52 = arith.constant 0 : i32
        %dma_wait3A_53 = tpu.memref_slice %arg3[%arg0, %add3A_44, %dma_wait3A_52] : memref<2x10240x128xf32, #tpu.memory_space<hbm>> -> memref<1x128x128xf32, #tpu.memory_space<hbm>>
        %dma_wait3A_54 = tpu.memref_squeeze %dma_wait3A_53 : memref<1x128x128xf32, #tpu.memory_space<hbm>> -> memref<128x128xf32, #tpu.memory_space<hbm>>
        tpu.wait_dma2 semaphore(%run_scoped3A : memref<!tpu.dma_semaphore, #tpu.memory_space<semaphore_mem>>) src(%arg6 : memref<128x128xf32, #tpu.memory_space<vmem>>) dst(%dma_wait3A_54 : memref<128x128xf32, #tpu.memory_space<hbm>>)
        tpu.yield
      }) : () -> ()
    }
    %scan3A_38 = arith.constant 5 : i32
    return
  }
}

#map = affine_map<(d0, d1) -> (0, 0)>
#map1 = affine_map<(d0, d1) -> (0, 0, 0)>
module attributes {stable_mosaic.version = 14 : i64} {
  func.func @_agg_call(%arg0: i32, %arg1: i32, %arg2: memref<20480x128xf32, #tpu.memory_space<hbm>>, %arg3: memref<16x10112xi32, #tpu.memory_space<hbm>>, %arg4: memref<16x79x128xi32, #tpu.memory_space<hbm>>, %arg5: memref<2x10240x128xf32, #tpu.memory_space<hbm>>, %arg6: memref<10240x128xf32, #tpu.memory_space<vmem_shared>>, %arg7: memref<10112xi32, #tpu.memory_space<vmem>>, %arg8: memref<128xi32, #tpu.memory_space<vmem>>, %arg9: memref<128x128xf32, #tpu.memory_space<vmem>>, %arg10: memref<!tpu.dma_semaphore, #tpu.memory_space<semaphore_mem>>) attributes {dimension_semantics = [#tpu.dimension_semantics<core_parallel>, #tpu.dimension_semantics<subcore_parallel>], iteration_bounds = array<i64: 2, 16>, scalar_prefetch = 0 : i64, scratch_operands = 5 : i64, tpu.core_type = #tpu.core_type<sc_vector_subcore>, window_params = [{transform_indices = #map}, {transform_indices = #map}, {transform_indices = #map1}, {transform_indices = #map1}]} {
    %mul3A = arith.constant 10240 : i32
    %mul3A_0 = arith.muli %arg0, %mul3A : i32
    "tpu.region"() ({
      %run_scoped3A = tpu.sem_alloc : memref<!tpu.dma_semaphore, #tpu.memory_space<semaphore_mem>>
      %dma_start3A = arith.constant 0 : i32
      %dma_start3A_25 = tpu.memref_slice %arg3[%arg1, %dma_start3A] : memref<16x10112xi32, #tpu.memory_space<hbm>> -> memref<1x10112xi32, #tpu.memory_space<hbm>>
      %dma_start3A_26 = tpu.memref_squeeze %dma_start3A_25 : memref<1x10112xi32, #tpu.memory_space<hbm>> -> memref<10112xi32, #tpu.memory_space<hbm>>
      %dma_start3A_27 = arith.constant 0 : i32
      %dma_start3A_28 = tpu.memref_slice %arg3[%arg1, %dma_start3A_27] : memref<16x10112xi32, #tpu.memory_space<hbm>> -> memref<1x10112xi32, #tpu.memory_space<hbm>>
      %dma_start3A_29 = tpu.memref_squeeze %dma_start3A_28 : memref<1x10112xi32, #tpu.memory_space<hbm>> -> memref<10112xi32, #tpu.memory_space<hbm>>
      tpu.enqueue_dma source(%dma_start3A_29 : memref<10112xi32, #tpu.memory_space<hbm>>) target(%arg7 : memref<10112xi32, #tpu.memory_space<vmem>>) target_semaphore(%run_scoped3A : memref<!tpu.dma_semaphore, #tpu.memory_space<semaphore_mem>>)
      %dma_wait3A = arith.constant 0 : i32
      %dma_wait3A_30 = tpu.memref_slice %arg3[%arg1, %dma_wait3A] : memref<16x10112xi32, #tpu.memory_space<hbm>> -> memref<1x10112xi32, #tpu.memory_space<hbm>>
      %dma_wait3A_31 = tpu.memref_squeeze %dma_wait3A_30 : memref<1x10112xi32, #tpu.memory_space<hbm>> -> memref<10112xi32, #tpu.memory_space<hbm>>
      %dma_wait3A_32 = arith.constant 0 : i32
      %dma_wait3A_33 = tpu.memref_slice %arg3[%arg1, %dma_wait3A_32] : memref<16x10112xi32, #tpu.memory_space<hbm>> -> memref<1x10112xi32, #tpu.memory_space<hbm>>
      %dma_wait3A_34 = tpu.memref_squeeze %dma_wait3A_33 : memref<1x10112xi32, #tpu.memory_space<hbm>> -> memref<10112xi32, #tpu.memory_space<hbm>>
      tpu.wait_dma2 semaphore(%run_scoped3A : memref<!tpu.dma_semaphore, #tpu.memory_space<semaphore_mem>>) src(%dma_wait3A_34 : memref<10112xi32, #tpu.memory_space<hbm>>) dst(%arg7 : memref<10112xi32, #tpu.memory_space<vmem>>)
      tpu.yield
    }) : () -> ()
    %scan3A = arith.constant 0 : i32
    %scan3A_1 = arith.constant 0 : i32
    %scan3A_2 = arith.constant 632 : i32
    %scan3A_3 = arith.addi %scan3A_1, %scan3A_2 : i32
    %scan3A_4 = arith.constant 1 : i32
    scf.for %scan3A_25 = %scan3A_1 to %scan3A_3 step %scan3A_4  : i32 {
      %mul3A_26 = arith.constant 16 : i32
      %mul3A_27 = arith.muli %scan3A_25, %mul3A_26 : i32
      %get3A = arith.index_cast %mul3A_27 : i32 to index
      %get3A_28 = tpu.vector_load %arg7[%get3A] {strides = array<i32>} : memref<10112xi32, #tpu.memory_space<vmem>>, vector<16xi32>,
      %get3A_29 = vector.shape_cast %get3A_28 : vector<16xi32> to vector<16xi32>
      %add3A = vector.broadcast %mul3A_0 : i32 to vector<16xi32>
      %add3A_30 = arith.addi %get3A_29, %add3A : vector<16xi32>
      %mul3A_31 = arith.constant 16 : i32
      %mul3A_32 = arith.muli %scan3A_25, %mul3A_31 : i32
      %swap3A = arith.index_cast %mul3A_32 : i32 to index
      %swap3A_33 = tpu.vector_load %arg7[%swap3A] {strides = array<i32>} : memref<10112xi32, #tpu.memory_space<vmem>>, vector<16xi32>,
      %swap3A_34 = vector.shape_cast %swap3A_33 : vector<16xi32> to vector<16xi32>
      %swap3A_35 = vector.shape_cast %add3A_30 : vector<16xi32> to vector<16xi32>
      tpu.vector_store %arg7[%swap3A], %swap3A_35 {strides = array<i32>} : memref<10112xi32, #tpu.memory_space<vmem>>, vector<16xi32>,
    }
    %scan3A_5 = arith.constant 632 : i32
    %scan3A_6 = arith.constant 0 : i32
    %scan3A_7 = arith.constant 0 : i32
    %scan3A_8 = arith.constant 5 : i32
    %scan3A_9 = arith.addi %scan3A_7, %scan3A_8 : i32
    %scan3A_10 = arith.constant 1 : i32
    scf.for %scan3A_25 = %scan3A_7 to %scan3A_9 step %scan3A_10  : i32 {
      %mul3A_26 = arith.constant 640 : i32
      %mul3A_27 = arith.muli %arg1, %mul3A_26 : i32
      %mul3A_28 = arith.constant 128 : i32
      %mul3A_29 = arith.muli %scan3A_25, %mul3A_28 : i32
      %add3A = arith.addi %mul3A_27, %mul3A_29 : i32
      %add3A_30 = arith.addi %mul3A_0, %add3A : i32
      "tpu.region"() ({
        %run_scoped3A = tpu.sem_alloc : memref<!tpu.dma_semaphore, #tpu.memory_space<semaphore_mem>>
        %dma_start3A = arith.constant 0 : i32
        %dma_start3A_31 = tpu.memref_slice %arg2[%add3A_30, %dma_start3A] : memref<20480x128xf32, #tpu.memory_space<hbm>> -> memref<128x128xf32, #tpu.memory_space<hbm>>
        %dma_start3A_32 = arith.constant 0 : i32
        %dma_start3A_33 = tpu.memref_slice %arg2[%add3A_30, %dma_start3A_32] : memref<20480x128xf32, #tpu.memory_space<hbm>> -> memref<128x128xf32, #tpu.memory_space<hbm>>
        tpu.enqueue_dma source(%dma_start3A_33 : memref<128x128xf32, #tpu.memory_space<hbm>>) target(%arg9 : memref<128x128xf32, #tpu.memory_space<vmem>>) target_semaphore(%run_scoped3A : memref<!tpu.dma_semaphore, #tpu.memory_space<semaphore_mem>>)
        %dma_wait3A = arith.constant 0 : i32
        %dma_wait3A_34 = tpu.memref_slice %arg2[%add3A_30, %dma_wait3A] : memref<20480x128xf32, #tpu.memory_space<hbm>> -> memref<128x128xf32, #tpu.memory_space<hbm>>
        %dma_wait3A_35 = arith.constant 0 : i32
        %dma_wait3A_36 = tpu.memref_slice %arg2[%add3A_30, %dma_wait3A_35] : memref<20480x128xf32, #tpu.memory_space<hbm>> -> memref<128x128xf32, #tpu.memory_space<hbm>>
        tpu.wait_dma2 semaphore(%run_scoped3A : memref<!tpu.dma_semaphore, #tpu.memory_space<semaphore_mem>>) src(%dma_wait3A_36 : memref<128x128xf32, #tpu.memory_space<hbm>>) dst(%arg9 : memref<128x128xf32, #tpu.memory_space<vmem>>)
        tpu.yield
      }) : () -> ()
      "tpu.region"() ({
        %run_scoped3A = tpu.sem_alloc : memref<!tpu.dma_semaphore, #tpu.memory_space<semaphore_mem>>
        %dma_start3A = arith.constant 0 : i32
        %dma_start3A_31 = tpu.memref_slice %arg6[%add3A, %dma_start3A] : memref<10240x128xf32, #tpu.memory_space<vmem_shared>> -> memref<128x128xf32, #tpu.memory_space<vmem_shared>>
        %dma_start3A_32 = arith.constant 0 : i32
        %dma_start3A_33 = tpu.memref_slice %arg6[%add3A, %dma_start3A_32] : memref<10240x128xf32, #tpu.memory_space<vmem_shared>> -> memref<128x128xf32, #tpu.memory_space<vmem_shared>>
        tpu.enqueue_dma source(%arg9 : memref<128x128xf32, #tpu.memory_space<vmem>>) target(%dma_start3A_33 : memref<128x128xf32, #tpu.memory_space<vmem_shared>>) target_semaphore(%run_scoped3A : memref<!tpu.dma_semaphore, #tpu.memory_space<semaphore_mem>>)
        %dma_wait3A = arith.constant 0 : i32
        %dma_wait3A_34 = tpu.memref_slice %arg6[%add3A, %dma_wait3A] : memref<10240x128xf32, #tpu.memory_space<vmem_shared>> -> memref<128x128xf32, #tpu.memory_space<vmem_shared>>
        %dma_wait3A_35 = arith.constant 0 : i32
        %dma_wait3A_36 = tpu.memref_slice %arg6[%add3A, %dma_wait3A_35] : memref<10240x128xf32, #tpu.memory_space<vmem_shared>> -> memref<128x128xf32, #tpu.memory_space<vmem_shared>>
        tpu.wait_dma2 semaphore(%run_scoped3A : memref<!tpu.dma_semaphore, #tpu.memory_space<semaphore_mem>>) src(%arg9 : memref<128x128xf32, #tpu.memory_space<vmem>>) dst(%dma_wait3A_36 : memref<128x128xf32, #tpu.memory_space<vmem_shared>>)
        tpu.yield
      }) : () -> ()
    }
    %scan3A_11 = arith.constant 5 : i32
    %barrier3A = arith.constant 0 : index
    tpu.barrier barrier_id(%barrier3A)
    %scan3A_12 = arith.constant 0 : i32
    %scan3A_13 = arith.constant 0 : i32
    %scan3A_14 = arith.constant 79 : i32
    %scan3A_15 = arith.addi %scan3A_13, %scan3A_14 : i32
    %scan3A_16 = arith.constant 1 : i32
    scf.for %scan3A_25 = %scan3A_13 to %scan3A_15 step %scan3A_16  : i32 {
      "tpu.region"() ({
        %run_scoped3A = tpu.sem_alloc : memref<!tpu.dma_semaphore, #tpu.memory_space<semaphore_mem>>
        %dma_start3A_34 = arith.constant 0 : i32
        %dma_start3A_35 = tpu.memref_slice %arg4[%arg1, %scan3A_25, %dma_start3A_34] : memref<16x79x128xi32, #tpu.memory_space<hbm>> -> memref<1x1x128xi32, #tpu.memory_space<hbm>>
        %dma_start3A_36 = tpu.memref_squeeze %dma_start3A_35 : memref<1x1x128xi32, #tpu.memory_space<hbm>> -> memref<128xi32, #tpu.memory_space<hbm>>
        %dma_start3A_37 = arith.constant 0 : i32
        %dma_start3A_38 = tpu.memref_slice %arg4[%arg1, %scan3A_25, %dma_start3A_37] : memref<16x79x128xi32, #tpu.memory_space<hbm>> -> memref<1x1x128xi32, #tpu.memory_space<hbm>>
        %dma_start3A_39 = tpu.memref_squeeze %dma_start3A_38 : memref<1x1x128xi32, #tpu.memory_space<hbm>> -> memref<128xi32, #tpu.memory_space<hbm>>
        tpu.enqueue_dma source(%dma_start3A_39 : memref<128xi32, #tpu.memory_space<hbm>>) target(%arg8 : memref<128xi32, #tpu.memory_space<vmem>>) target_semaphore(%run_scoped3A : memref<!tpu.dma_semaphore, #tpu.memory_space<semaphore_mem>>)
        %dma_wait3A_40 = arith.constant 0 : i32
        %dma_wait3A_41 = tpu.memref_slice %arg4[%arg1, %scan3A_25, %dma_wait3A_40] : memref<16x79x128xi32, #tpu.memory_space<hbm>> -> memref<1x1x128xi32, #tpu.memory_space<hbm>>
        %dma_wait3A_42 = tpu.memref_squeeze %dma_wait3A_41 : memref<1x1x128xi32, #tpu.memory_space<hbm>> -> memref<128xi32, #tpu.memory_space<hbm>>
        %dma_wait3A_43 = arith.constant 0 : i32
        %dma_wait3A_44 = tpu.memref_slice %arg4[%arg1, %scan3A_25, %dma_wait3A_43] : memref<16x79x128xi32, #tpu.memory_space<hbm>> -> memref<1x1x128xi32, #tpu.memory_space<hbm>>
        %dma_wait3A_45 = tpu.memref_squeeze %dma_wait3A_44 : memref<1x1x128xi32, #tpu.memory_space<hbm>> -> memref<128xi32, #tpu.memory_space<hbm>>
        tpu.wait_dma2 semaphore(%run_scoped3A : memref<!tpu.dma_semaphore, #tpu.memory_space<semaphore_mem>>) src(%dma_wait3A_45 : memref<128xi32, #tpu.memory_space<hbm>>) dst(%arg8 : memref<128xi32, #tpu.memory_space<vmem>>)
        tpu.yield
      }) : () -> ()
      %mul3A_26 = arith.constant 128 : i32
      %mul3A_27 = arith.muli %scan3A_25, %mul3A_26 : i32
      %dma_start3A = tpu.memref_slice %arg7[%mul3A_27] : memref<10112xi32, #tpu.memory_space<vmem>> -> memref<128xi32, #tpu.memory_space<vmem>>
      %dma_start3A_28 = arith.constant 0 : i32
      %dma_start3A_29 = arith.constant 0 : i32
      %dma_start3A_30 = tpu.memref_slice %arg2[%dma_start3A_28, %dma_start3A_29] : memref<20480x128xf32, #tpu.memory_space<hbm>> -> memref<20480x128xf32, #tpu.memory_space<hbm>>
      tpu.enqueue_indirect_dma source(%dma_start3A_30 : memref<20480x128xf32, #tpu.memory_space<hbm>>) target(%arg9 : memref<128x128xf32, #tpu.memory_space<vmem>>) offsets(%dma_start3A : memref<128xi32, #tpu.memory_space<vmem>>) semaphore(%arg10 : memref<!tpu.dma_semaphore, #tpu.memory_space<semaphore_mem>>)
      %dma_wait3A = tpu.memref_slice %arg7[%mul3A_27] : memref<10112xi32, #tpu.memory_space<vmem>> -> memref<128xi32, #tpu.memory_space<vmem>>
      %dma_wait3A_31 = arith.constant 0 : i32
      %dma_wait3A_32 = arith.constant 0 : i32
      %dma_wait3A_33 = tpu.memref_slice %arg2[%dma_wait3A_31, %dma_wait3A_32] : memref<20480x128xf32, #tpu.memory_space<hbm>> -> memref<20480x128xf32, #tpu.memory_space<hbm>>
      tpu.wait_indirect_dma semaphore(%arg10 : memref<!tpu.dma_semaphore, #tpu.memory_space<semaphore_mem>>) src(%dma_wait3A_33 : memref<20480x128xf32, #tpu.memory_space<hbm>>) dst(%arg9 : memref<128x128xf32, #tpu.memory_space<vmem>>)
      "tpu.region"() ({
        %run_scoped3A = tpu.sem_alloc : memref<!tpu.dma_semaphore, #tpu.memory_space<semaphore_mem>>
        %dma_start3A_34 = arith.constant 0 : i32
        %dma_start3A_35 = arith.constant 0 : i32
        %dma_start3A_36 = tpu.memref_slice %arg6[%dma_start3A_34, %dma_start3A_35] : memref<10240x128xf32, #tpu.memory_space<vmem_shared>> -> memref<10240x128xf32, #tpu.memory_space<vmem_shared>>
        tpu.enqueue_indirect_dma source(%arg9 : memref<128x128xf32, #tpu.memory_space<vmem>>) target(%dma_start3A_36 : memref<10240x128xf32, #tpu.memory_space<vmem_shared>>) offsets(%arg8 : memref<128xi32, #tpu.memory_space<vmem>>) semaphore(%run_scoped3A : memref<!tpu.dma_semaphore, #tpu.memory_space<semaphore_mem>>) {add = true}
        %dma_wait3A_37 = arith.constant 0 : i32
        %dma_wait3A_38 = arith.constant 0 : i32
        %dma_wait3A_39 = tpu.memref_slice %arg6[%dma_wait3A_37, %dma_wait3A_38] : memref<10240x128xf32, #tpu.memory_space<vmem_shared>> -> memref<10240x128xf32, #tpu.memory_space<vmem_shared>>
        tpu.wait_indirect_dma semaphore(%run_scoped3A : memref<!tpu.dma_semaphore, #tpu.memory_space<semaphore_mem>>) src(%arg9 : memref<128x128xf32, #tpu.memory_space<vmem>>) dst(%dma_wait3A_39 : memref<10240x128xf32, #tpu.memory_space<vmem_shared>>)
        tpu.yield
      }) : () -> ()
    }
    %scan3A_17 = arith.constant 79 : i32
    %barrier3A_18 = arith.constant 0 : index
    tpu.barrier barrier_id(%barrier3A_18)
    %scan3A_19 = arith.constant 0 : i32
    %scan3A_20 = arith.constant 0 : i32
    %scan3A_21 = arith.constant 5 : i32
    %scan3A_22 = arith.addi %scan3A_20, %scan3A_21 : i32
    %scan3A_23 = arith.constant 1 : i32
    scf.for %scan3A_25 = %scan3A_20 to %scan3A_22 step %scan3A_23  : i32 {
      %mul3A_26 = arith.constant 640 : i32
      %mul3A_27 = arith.muli %arg1, %mul3A_26 : i32
      %mul3A_28 = arith.constant 128 : i32
      %mul3A_29 = arith.muli %scan3A_25, %mul3A_28 : i32
      %add3A = arith.addi %mul3A_27, %mul3A_29 : i32
      "tpu.region"() ({
        %run_scoped3A = tpu.sem_alloc : memref<!tpu.dma_semaphore, #tpu.memory_space<semaphore_mem>>
        %dma_start3A = arith.constant 0 : i32
        %dma_start3A_30 = tpu.memref_slice %arg6[%add3A, %dma_start3A] : memref<10240x128xf32, #tpu.memory_space<vmem_shared>> -> memref<128x128xf32, #tpu.memory_space<vmem_shared>>
        %dma_start3A_31 = arith.constant 0 : i32
        %dma_start3A_32 = tpu.memref_slice %arg6[%add3A, %dma_start3A_31] : memref<10240x128xf32, #tpu.memory_space<vmem_shared>> -> memref<128x128xf32, #tpu.memory_space<vmem_shared>>
        tpu.enqueue_dma source(%dma_start3A_32 : memref<128x128xf32, #tpu.memory_space<vmem_shared>>) target(%arg9 : memref<128x128xf32, #tpu.memory_space<vmem>>) target_semaphore(%run_scoped3A : memref<!tpu.dma_semaphore, #tpu.memory_space<semaphore_mem>>)
        %dma_wait3A = arith.constant 0 : i32
        %dma_wait3A_33 = tpu.memref_slice %arg6[%add3A, %dma_wait3A] : memref<10240x128xf32, #tpu.memory_space<vmem_shared>> -> memref<128x128xf32, #tpu.memory_space<vmem_shared>>
        %dma_wait3A_34 = arith.constant 0 : i32
        %dma_wait3A_35 = tpu.memref_slice %arg6[%add3A, %dma_wait3A_34] : memref<10240x128xf32, #tpu.memory_space<vmem_shared>> -> memref<128x128xf32, #tpu.memory_space<vmem_shared>>
        tpu.wait_dma2 semaphore(%run_scoped3A : memref<!tpu.dma_semaphore, #tpu.memory_space<semaphore_mem>>) src(%dma_wait3A_35 : memref<128x128xf32, #tpu.memory_space<vmem_shared>>) dst(%arg9 : memref<128x128xf32, #tpu.memory_space<vmem>>)
        tpu.yield
      }) : () -> ()
      "tpu.region"() ({
        %run_scoped3A = tpu.sem_alloc : memref<!tpu.dma_semaphore, #tpu.memory_space<semaphore_mem>>
        %dma_start3A = arith.constant 0 : i32
        %dma_start3A_30 = tpu.memref_slice %arg5[%arg0, %add3A, %dma_start3A] : memref<2x10240x128xf32, #tpu.memory_space<hbm>> -> memref<1x128x128xf32, #tpu.memory_space<hbm>>
        %dma_start3A_31 = tpu.memref_squeeze %dma_start3A_30 : memref<1x128x128xf32, #tpu.memory_space<hbm>> -> memref<128x128xf32, #tpu.memory_space<hbm>>
        %dma_start3A_32 = arith.constant 0 : i32
        %dma_start3A_33 = tpu.memref_slice %arg5[%arg0, %add3A, %dma_start3A_32] : memref<2x10240x128xf32, #tpu.memory_space<hbm>> -> memref<1x128x128xf32, #tpu.memory_space<hbm>>
        %dma_start3A_34 = tpu.memref_squeeze %dma_start3A_33 : memref<1x128x128xf32, #tpu.memory_space<hbm>> -> memref<128x128xf32, #tpu.memory_space<hbm>>
        tpu.enqueue_dma source(%arg9 : memref<128x128xf32, #tpu.memory_space<vmem>>) target(%dma_start3A_34 : memref<128x128xf32, #tpu.memory_space<hbm>>) target_semaphore(%run_scoped3A : memref<!tpu.dma_semaphore, #tpu.memory_space<semaphore_mem>>)
        %dma_wait3A = arith.constant 0 : i32
        %dma_wait3A_35 = tpu.memref_slice %arg5[%arg0, %add3A, %dma_wait3A] : memref<2x10240x128xf32, #tpu.memory_space<hbm>> -> memref<1x128x128xf32, #tpu.memory_space<hbm>>
        %dma_wait3A_36 = tpu.memref_squeeze %dma_wait3A_35 : memref<1x128x128xf32, #tpu.memory_space<hbm>> -> memref<128x128xf32, #tpu.memory_space<hbm>>
        %dma_wait3A_37 = arith.constant 0 : i32
        %dma_wait3A_38 = tpu.memref_slice %arg5[%arg0, %add3A, %dma_wait3A_37] : memref<2x10240x128xf32, #tpu.memory_space<hbm>> -> memref<1x128x128xf32, #tpu.memory_space<hbm>>
        %dma_wait3A_39 = tpu.memref_squeeze %dma_wait3A_38 : memref<1x128x128xf32, #tpu.memory_space<hbm>> -> memref<128x128xf32, #tpu.memory_space<hbm>>
        tpu.wait_dma2 semaphore(%run_scoped3A : memref<!tpu.dma_semaphore, #tpu.memory_space<semaphore_mem>>) src(%arg9 : memref<128x128xf32, #tpu.memory_space<vmem>>) dst(%dma_wait3A_39 : memref<128x128xf32, #tpu.memory_space<hbm>>)
        tpu.yield
      }) : () -> ()
    }
    %scan3A_24 = arith.constant 5 : i32
    return
  }
}

module attributes {stable_mosaic.version = 14 : i64} {
  func.func @_tc3_body(%arg0: i32, %arg1: memref<1x2048x128xf32, #tpu.memory_space<vmem>>, %arg2: memref<1x2048x128xf32, #tpu.memory_space<vmem>>, %arg3: memref<2048x1xf32, #tpu.memory_space<vmem>>, %arg4: memref<1x256xf32, #tpu.memory_space<vmem>>, %arg5: memref<2048x256xf32, #tpu.memory_space<vmem>>) attributes {dimension_semantics = [#tpu.dimension_semantics<arbitrary>], iteration_bounds = array<i64: 5>, scalar_prefetch = 0 : i64, scratch_operands = 0 : i64, tpu.core_type = #tpu.core_type<tc>, window_params = [{transform_indices = @transform_0, window_bounds = array<i64: 1, 2048, 128>}, {transform_indices = @transform_1, window_bounds = array<i64: 1, 2048, 128>}, {transform_indices = @transform_2, window_bounds = array<i64: 2048, 1>}, {pipeline_mode = #tpu.pipeline_mode<synchronous>, transform_indices = @transform_3, window_bounds = array<i64: 1, 256>}, {transform_indices = @transform_4, window_bounds = array<i64: 2048, 256>}]} {
    %get3A = arith.constant 0 : index
    %get3A_0 = arith.constant 0 : index
    %get3A_1 = arith.constant 0 : index
    %get3A_2 = vector.load %arg1[%get3A, %get3A_0, %get3A_1] : memref<1x2048x128xf32, #tpu.memory_space<vmem>>, vector<1x2048x128xf32>
    %get3A_3 = vector.shape_cast %get3A_2 : vector<1x2048x128xf32> to vector<2048x128xf32>
    %get3A_4 = arith.constant 0 : index
    %get3A_5 = arith.constant 0 : index
    %get3A_6 = arith.constant 0 : index
    %get3A_7 = vector.load %arg2[%get3A_4, %get3A_5, %get3A_6] : memref<1x2048x128xf32, #tpu.memory_space<vmem>>, vector<1x2048x128xf32>
    %get3A_8 = vector.shape_cast %get3A_7 : vector<1x2048x128xf32> to vector<2048x128xf32>
    %concatenate3A = tpu.concatenate %get3A_3, %get3A_8 in 1 : vector<2048x128xf32>, vector<2048x128xf32> -> vector<2048x256xf32>
    %get3A_9 = arith.constant 0 : index
    %get3A_10 = arith.constant 0 : index
    %get3A_11 = vector.load %arg3[%get3A_9, %get3A_10] : memref<2048x1xf32, #tpu.memory_space<vmem>>, vector<2048x1xf32>
    %mul3A = vector.broadcast %get3A_11 : vector<2048x1xf32> to vector<2048x256xf32>
    %mul3A_12 = arith.mulf %concatenate3A, %mul3A : vector<2048x256xf32>
    %get3A_13 = arith.constant 0 : index
    %get3A_14 = arith.constant 0 : index
    %get3A_15 = vector.load %arg4[%get3A_13, %get3A_14] : memref<1x256xf32, #tpu.memory_space<vmem>>, vector<1x256xf32>
    %add3A = vector.broadcast %get3A_15 : vector<1x256xf32> to vector<2048x256xf32>
    %add3A_16 = arith.addf %mul3A_12, %add3A : vector<2048x256xf32>
    %swap3A = arith.constant 0 : index
    %swap3A_17 = arith.constant 0 : index
    %swap3A_18 = vector.load %arg5[%swap3A, %swap3A_17] : memref<2048x256xf32, #tpu.memory_space<vmem>>, vector<2048x256xf32>
    tpu.vector_store %arg5[%swap3A, %swap3A_17], %add3A_16 {strides = array<i32>} : memref<2048x256xf32, #tpu.memory_space<vmem>>, vector<2048x256xf32>,
    return
  }
  func.func @transform_0(%arg0: i32) -> (i32, i32, i32) {
    %c0_i32 = arith.constant 0 : i32
    %c0_i32_0 = arith.constant 0 : i32
    %c0_i32_1 = arith.constant 0 : i32
    return %c0_i32, %arg0, %c0_i32_0 : i32, i32, i32
  }
  func.func @transform_1(%arg0: i32) -> (i32, i32, i32) {
    %c1_i32 = arith.constant 1 : i32
    %c0_i32 = arith.constant 0 : i32
    %c0_i32_0 = arith.constant 0 : i32
    return %c1_i32, %arg0, %c0_i32 : i32, i32, i32
  }
  func.func @transform_2(%arg0: i32) -> (i32, i32) {
    %c0_i32 = arith.constant 0 : i32
    %c0_i32_0 = arith.constant 0 : i32
    return %arg0, %c0_i32 : i32, i32
  }
  func.func @transform_3(%arg0: i32) -> (i32, i32) {
    %c0_i32 = arith.constant 0 : i32
    %c0_i32_0 = arith.constant 0 : i32
    %c0_i32_1 = arith.constant 0 : i32
    return %c0_i32, %c0_i32_0 : i32, i32
  }
  func.func @transform_4(%arg0: i32) -> (i32, i32) {
    %c0_i32 = arith.constant 0 : i32
    %c0_i32_0 = arith.constant 0 : i32
    return %arg0, %c0_i32 : i32, i32
  }
}

module attributes {stable_mosaic.version = 14 : i64} {
  func.func @_tc1_body(%arg0: i32, %arg1: memref<2048x256xf32, #tpu.memory_space<vmem>>, %arg2: memref<256x256xf32, #tpu.memory_space<vmem>>, %arg3: memref<1x2048x128xf32, #tpu.memory_space<vmem>>, %arg4: memref<1x2048x128xf32, #tpu.memory_space<vmem>>, %arg5: memref<2x2048x128xf32, #tpu.memory_space<vmem>>, %arg6: memref<2048x1xf32, #tpu.memory_space<vmem>>) attributes {dimension_semantics = [#tpu.dimension_semantics<arbitrary>], iteration_bounds = array<i64: 5>, scalar_prefetch = 0 : i64, scratch_operands = 0 : i64, tpu.core_type = #tpu.core_type<tc>, window_params = [{transform_indices = @transform_0, window_bounds = array<i64: 2048, 256>}, {pipeline_mode = #tpu.pipeline_mode<synchronous>, transform_indices = @transform_1, window_bounds = array<i64: 256, 256>}, {transform_indices = @transform_2, window_bounds = array<i64: 1, 2048, 128>}, {transform_indices = @transform_3, window_bounds = array<i64: 1, 2048, 128>}, {transform_indices = @transform_4, window_bounds = array<i64: 2, 2048, 128>}, {transform_indices = @transform_5, window_bounds = array<i64: 2048, 1>}]} {
    %get3A = arith.constant 0 : index
    %get3A_0 = arith.constant 0 : index
    %get3A_1 = arith.constant 0 : index
    %get3A_2 = vector.load %arg3[%get3A, %get3A_0, %get3A_1] : memref<1x2048x128xf32, #tpu.memory_space<vmem>>, vector<1x2048x1xf32>
    %get3A_3 = vector.shape_cast %get3A_2 : vector<1x2048x1xf32> to vector<2048x1xf32>
    %get3A_4 = arith.constant 0 : index
    %get3A_5 = arith.constant 0 : index
    %get3A_6 = arith.constant 0 : index
    %get3A_7 = vector.load %arg4[%get3A_4, %get3A_5, %get3A_6] : memref<1x2048x128xf32, #tpu.memory_space<vmem>>, vector<1x2048x1xf32>
    %get3A_8 = vector.shape_cast %get3A_7 : vector<1x2048x1xf32> to vector<2048x1xf32>
    %add3A = arith.addf %get3A_3, %get3A_8 : vector<2048x1xf32>
    %add3A_9 = arith.constant 1.000000e+00 : f32
    %add3A_10 = vector.broadcast %add3A_9 : f32 to vector<2048x1xf32>
    %add3A_11 = arith.addf %add3A, %add3A_10 : vector<2048x1xf32>
    %rsqrt3A = math.rsqrt %add3A_11 : vector<2048x1xf32>
    %get3A_12 = arith.constant 0 : index
    %get3A_13 = arith.constant 0 : index
    %get3A_14 = vector.load %arg1[%get3A_12, %get3A_13] : memref<2048x256xf32, #tpu.memory_space<vmem>>, vector<2048x256xf32>
    %get3A_15 = arith.constant 0 : index
    %get3A_16 = arith.constant 0 : index
    %get3A_17 = vector.load %arg2[%get3A_15, %get3A_16] : memref<256x256xf32, #tpu.memory_space<vmem>>, vector<256x256xf32>
    %dot_general3A = arith.constant dense<0.000000e+00> : vector<2048x256xf32>
    %dot_general3A_18 = tpu.matmul %get3A_14, %get3A_17, %dot_general3A {dimension_numbers = #tpu.dot_dimension_numbers<[1], [0], [0], [1], [0, 0, 1, 1], [], []>, transpose_lhs_hint = false} : vector<2048x256xf32>, vector<256x256xf32>, vector<2048x256xf32> -> vector<2048x256xf32>
    %mul3A = vector.broadcast %rsqrt3A : vector<2048x1xf32> to vector<2048x256xf32>
    %mul3A_19 = arith.mulf %dot_general3A_18, %mul3A : vector<2048x256xf32>
    %slice3A = vector.extract_strided_slice %mul3A_19 {offsets = [0, 0], sizes = [2048, 128], strides = [1, 1]} : vector<2048x256xf32> to vector<2048x128xf32>
    %swap3A = arith.constant 0 : index
    %swap3A_20 = arith.constant 0 : index
    %swap3A_21 = arith.constant 0 : index
    %swap3A_22 = vector.load %arg5[%swap3A, %swap3A_20, %swap3A_21] : memref<2x2048x128xf32, #tpu.memory_space<vmem>>, vector<1x2048x128xf32>
    %swap3A_23 = vector.shape_cast %swap3A_22 : vector<1x2048x128xf32> to vector<2048x128xf32>
    %swap3A_24 = vector.shape_cast %slice3A : vector<2048x128xf32> to vector<1x2048x128xf32>
    tpu.vector_store %arg5[%swap3A, %swap3A_20, %swap3A_21], %swap3A_24 {strides = array<i32>} : memref<2x2048x128xf32, #tpu.memory_space<vmem>>, vector<1x2048x128xf32>,
    %slice3A_25 = vector.extract_strided_slice %mul3A_19 {offsets = [0, 128], sizes = [2048, 128], strides = [1, 1]} : vector<2048x256xf32> to vector<2048x128xf32>
    %swap3A_26 = arith.constant 1 : index
    %swap3A_27 = arith.constant 0 : index
    %swap3A_28 = arith.constant 0 : index
    %swap3A_29 = vector.load %arg5[%swap3A_26, %swap3A_27, %swap3A_28] : memref<2x2048x128xf32, #tpu.memory_space<vmem>>, vector<1x2048x128xf32>
    %swap3A_30 = vector.shape_cast %swap3A_29 : vector<1x2048x128xf32> to vector<2048x128xf32>
    %swap3A_31 = vector.shape_cast %slice3A_25 : vector<2048x128xf32> to vector<1x2048x128xf32>
    tpu.vector_store %arg5[%swap3A_26, %swap3A_27, %swap3A_28], %swap3A_31 {strides = array<i32>} : memref<2x2048x128xf32, #tpu.memory_space<vmem>>, vector<1x2048x128xf32>,
    %swap3A_32 = arith.constant 0 : index
    %swap3A_33 = arith.constant 0 : index
    %swap3A_34 = vector.load %arg6[%swap3A_32, %swap3A_33] : memref<2048x1xf32, #tpu.memory_space<vmem>>, vector<2048x1xf32>
    tpu.vector_store %arg6[%swap3A_32, %swap3A_33], %rsqrt3A {strides = array<i32>} : memref<2048x1xf32, #tpu.memory_space<vmem>>, vector<2048x1xf32>,
    return
  }
  func.func @transform_0(%arg0: i32) -> (i32, i32) {
    %c0_i32 = arith.constant 0 : i32
    %c0_i32_0 = arith.constant 0 : i32
    return %arg0, %c0_i32 : i32, i32
  }
  func.func @transform_1(%arg0: i32) -> (i32, i32) {
    %c0_i32 = arith.constant 0 : i32
    %c0_i32_0 = arith.constant 0 : i32
    %c0_i32_1 = arith.constant 0 : i32
    return %c0_i32, %c0_i32_0 : i32, i32
  }
  func.func @transform_2(%arg0: i32) -> (i32, i32, i32) {
    %c0_i32 = arith.constant 0 : i32
    %c0_i32_0 = arith.constant 0 : i32
    %c0_i32_1 = arith.constant 0 : i32
    return %c0_i32, %arg0, %c0_i32_0 : i32, i32, i32
  }
  func.func @transform_3(%arg0: i32) -> (i32, i32, i32) {
    %c1_i32 = arith.constant 1 : i32
    %c0_i32 = arith.constant 0 : i32
    %c0_i32_0 = arith.constant 0 : i32
    return %c1_i32, %arg0, %c0_i32 : i32, i32, i32
  }
  func.func @transform_4(%arg0: i32) -> (i32, i32, i32) {
    %c0_i32 = arith.constant 0 : i32
    %c0_i32_0 = arith.constant 0 : i32
    %c0_i32_1 = arith.constant 0 : i32
    return %c0_i32, %arg0, %c0_i32_0 : i32, i32, i32
  }
  func.func @transform_5(%arg0: i32) -> (i32, i32) {
    %c0_i32 = arith.constant 0 : i32
    %c0_i32_0 = arith.constant 0 : i32
    return %arg0, %c0_i32 : i32, i32
  }
}

module attributes {stable_mosaic.version = 14 : i64} {
  func.func @_tc2_body(%arg0: i32, %arg1: memref<1x2048x128xf32, #tpu.memory_space<vmem>>, %arg2: memref<1x2048x128xf32, #tpu.memory_space<vmem>>, %arg3: memref<2048x1xf32, #tpu.memory_space<vmem>>, %arg4: memref<1x256xf32, #tpu.memory_space<vmem>>, %arg5: memref<256x256xf32, #tpu.memory_space<vmem>>, %arg6: memref<2x2048x128xf32, #tpu.memory_space<vmem>>) attributes {dimension_semantics = [#tpu.dimension_semantics<arbitrary>], iteration_bounds = array<i64: 5>, scalar_prefetch = 0 : i64, scratch_operands = 0 : i64, tpu.core_type = #tpu.core_type<tc>, window_params = [{transform_indices = @transform_0, window_bounds = array<i64: 1, 2048, 128>}, {transform_indices = @transform_1, window_bounds = array<i64: 1, 2048, 128>}, {transform_indices = @transform_2, window_bounds = array<i64: 2048, 1>}, {pipeline_mode = #tpu.pipeline_mode<synchronous>, transform_indices = @transform_3, window_bounds = array<i64: 1, 256>}, {pipeline_mode = #tpu.pipeline_mode<synchronous>, transform_indices = @transform_4, window_bounds = array<i64: 256, 256>}, {transform_indices = @transform_5, window_bounds = array<i64: 2, 2048, 128>}]} {
    %get3A = arith.constant 0 : index
    %get3A_0 = arith.constant 0 : index
    %get3A_1 = vector.load %arg3[%get3A, %get3A_0] : memref<2048x1xf32, #tpu.memory_space<vmem>>, vector<2048x1xf32>
    %get3A_2 = arith.constant 0 : index
    %get3A_3 = arith.constant 0 : index
    %get3A_4 = arith.constant 0 : index
    %get3A_5 = vector.load %arg1[%get3A_2, %get3A_3, %get3A_4] : memref<1x2048x128xf32, #tpu.memory_space<vmem>>, vector<1x2048x128xf32>
    %get3A_6 = vector.shape_cast %get3A_5 : vector<1x2048x128xf32> to vector<2048x128xf32>
    %get3A_7 = arith.constant 0 : index
    %get3A_8 = arith.constant 0 : index
    %get3A_9 = arith.constant 0 : index
    %get3A_10 = vector.load %arg2[%get3A_7, %get3A_8, %get3A_9] : memref<1x2048x128xf32, #tpu.memory_space<vmem>>, vector<1x2048x128xf32>
    %get3A_11 = vector.shape_cast %get3A_10 : vector<1x2048x128xf32> to vector<2048x128xf32>
    %concatenate3A = tpu.concatenate %get3A_6, %get3A_11 in 1 : vector<2048x128xf32>, vector<2048x128xf32> -> vector<2048x256xf32>
    %mul3A = vector.broadcast %get3A_1 : vector<2048x1xf32> to vector<2048x256xf32>
    %mul3A_12 = arith.mulf %concatenate3A, %mul3A : vector<2048x256xf32>
    %get3A_13 = arith.constant 0 : index
    %get3A_14 = arith.constant 0 : index
    %get3A_15 = vector.load %arg4[%get3A_13, %get3A_14] : memref<1x256xf32, #tpu.memory_space<vmem>>, vector<1x256xf32>
    %add3A = vector.broadcast %get3A_15 : vector<1x256xf32> to vector<2048x256xf32>
    %add3A_16 = arith.addf %mul3A_12, %add3A : vector<2048x256xf32>
    %max3A = arith.constant 0.000000e+00 : f32
    %max3A_17 = vector.broadcast %max3A : f32 to vector<2048x256xf32>
    %max3A_18 = arith.maximumf %add3A_16, %max3A_17 : vector<2048x256xf32>
    %get3A_19 = arith.constant 0 : index
    %get3A_20 = arith.constant 0 : index
    %get3A_21 = vector.load %arg5[%get3A_19, %get3A_20] : memref<256x256xf32, #tpu.memory_space<vmem>>, vector<256x256xf32>
    %dot_general3A = arith.constant dense<0.000000e+00> : vector<2048x256xf32>
    %dot_general3A_22 = tpu.matmul %max3A_18, %get3A_21, %dot_general3A {dimension_numbers = #tpu.dot_dimension_numbers<[1], [0], [0], [1], [0, 0, 1, 1], [], []>, transpose_lhs_hint = false} : vector<2048x256xf32>, vector<256x256xf32>, vector<2048x256xf32> -> vector<2048x256xf32>
    %mul3A_23 = vector.broadcast %get3A_1 : vector<2048x1xf32> to vector<2048x256xf32>
    %mul3A_24 = arith.mulf %dot_general3A_22, %mul3A_23 : vector<2048x256xf32>
    %slice3A = vector.extract_strided_slice %mul3A_24 {offsets = [0, 0], sizes = [2048, 128], strides = [1, 1]} : vector<2048x256xf32> to vector<2048x128xf32>
    %swap3A = arith.constant 0 : index
    %swap3A_25 = arith.constant 0 : index
    %swap3A_26 = arith.constant 0 : index
    %swap3A_27 = vector.load %arg6[%swap3A, %swap3A_25, %swap3A_26] : memref<2x2048x128xf32, #tpu.memory_space<vmem>>, vector<1x2048x128xf32>
    %swap3A_28 = vector.shape_cast %swap3A_27 : vector<1x2048x128xf32> to vector<2048x128xf32>
    %swap3A_29 = vector.shape_cast %slice3A : vector<2048x128xf32> to vector<1x2048x128xf32>
    tpu.vector_store %arg6[%swap3A, %swap3A_25, %swap3A_26], %swap3A_29 {strides = array<i32>} : memref<2x2048x128xf32, #tpu.memory_space<vmem>>, vector<1x2048x128xf32>,
    %slice3A_30 = vector.extract_strided_slice %mul3A_24 {offsets = [0, 128], sizes = [2048, 128], strides = [1, 1]} : vector<2048x256xf32> to vector<2048x128xf32>
    %swap3A_31 = arith.constant 1 : index
    %swap3A_32 = arith.constant 0 : index
    %swap3A_33 = arith.constant 0 : index
    %swap3A_34 = vector.load %arg6[%swap3A_31, %swap3A_32, %swap3A_33] : memref<2x2048x128xf32, #tpu.memory_space<vmem>>, vector<1x2048x128xf32>
    %swap3A_35 = vector.shape_cast %swap3A_34 : vector<1x2048x128xf32> to vector<2048x128xf32>
    %swap3A_36 = vector.shape_cast %slice3A_30 : vector<2048x128xf32> to vector<1x2048x128xf32>
    tpu.vector_store %arg6[%swap3A_31, %swap3A_32, %swap3A_33], %swap3A_36 {strides = array<i32>} : memref<2x2048x128xf32, #tpu.memory_space<vmem>>, vector<1x2048x128xf32>,
    return
  }
  func.func @transform_0(%arg0: i32) -> (i32, i32, i32) {
    %c0_i32 = arith.constant 0 : i32
    %c0_i32_0 = arith.constant 0 : i32
    %c0_i32_1 = arith.constant 0 : i32
    return %c0_i32, %arg0, %c0_i32_0 : i32, i32, i32
  }
  func.func @transform_1(%arg0: i32) -> (i32, i32, i32) {
    %c1_i32 = arith.constant 1 : i32
    %c0_i32 = arith.constant 0 : i32
    %c0_i32_0 = arith.constant 0 : i32
    return %c1_i32, %arg0, %c0_i32 : i32, i32, i32
  }
  func.func @transform_2(%arg0: i32) -> (i32, i32) {
    %c0_i32 = arith.constant 0 : i32
    %c0_i32_0 = arith.constant 0 : i32
    return %arg0, %c0_i32 : i32, i32
  }
  func.func @transform_3(%arg0: i32) -> (i32, i32) {
    %c0_i32 = arith.constant 0 : i32
    %c0_i32_0 = arith.constant 0 : i32
    %c0_i32_1 = arith.constant 0 : i32
    return %c0_i32, %c0_i32_0 : i32, i32
  }
  func.func @transform_4(%arg0: i32) -> (i32, i32) {
    %c0_i32 = arith.constant 0 : i32
    %c0_i32_0 = arith.constant 0 : i32
    %c0_i32_1 = arith.constant 0 : i32
    return %c0_i32, %c0_i32_0 : i32, i32
  }
  func.func @transform_5(%arg0: i32) -> (i32, i32, i32) {
    %c0_i32 = arith.constant 0 : i32
    %c0_i32_0 = arith.constant 0 : i32
    %c0_i32_1 = arith.constant 0 : i32
    return %c0_i32, %arg0, %c0_i32_0 : i32, i32, i32
  }
}

</mosaic_0001>

<sc_bundles>
// kernel: kernel.11.cloned.1.call-start
scs
__scs_entry_jumppad:
0x0: {  	(pc) =	sbr.rel $0x88, $3  }
0x1: {  	(tag) =	ssettag $0x0;
	lr =	simm.s32 $0x1  }
0x2: {  	[smem:$0x3F9B] =	sst lr;
	_ =	strace $0xD0000000  }
0x3: {  	_ = 	snop  }
0x4: {  	_ = 	snop  }
0x5: {  	_ = 	snop  }
0x6: {  	_ = 	snop  }
0x7: {  	_ = 	snop  }
__scs_overlays_trampoline_lowered:
0x8: {  	[smem:$0x3FAA] =	sst s0  }
0x9: {  	[smem:$0x3FAB] =	sst s1  }
0xa: {  	[smem:$0x3FAC] =	sst s2  }
0xb: {  	[smem:$0x3FAD] =	sst s3  }
0xc: {  	[smem:$0x3FAE] =	sst s4  }
0xd: {  	[smem:$0x3FAF] =	sst s5  }
0xe: {  	[smem:$0x3FB0] =	sst s6  }
0xf: {  	[smem:$0x3FB1] =	sst s7  }
0x10: {  	[smem:$0x3FB2] =	sst s8  }
0x11: {  	[smem:$0x3FB3] =	sst s9;
	s0 =	simm.s32 @!p0 $0x0  }
0x12: {  	s1 =	sld [smem:$0x3F99];
	s0 =	simm.s32 @p0 $0x1  }
0x13: {  	[smem:$0x3FB4] =	sst s0;
	s0 =	simm.s32 @!p1 $0x0  }
0x14: {  	s2 =	sld [smem:$0x3F98];
	s0 =	simm.s32 @p1 $0x1  }
0x15: {  	[smem:$0x3FB5] =	sst s0;
	s0 =	simm.s32 @!p2 $0x0  }
0x16: {  	s3 =	sld [smem:$0x3FDB];
	s0 =	simm.s32 @p2 $0x1  }
0x17: {  	s4 =	simm.s32 $0x1BF5;
	[smem:$0x3FB7] =	sst s0  }
0x18: {  	s0 =	sld [smem:$0x3F9A];
	_ =	swait.ge [sflag:s4], $0x0  }
0x19: {  	s7 =	sld [smem:$0x3F9B]  }
0x1a: {  	s8 =	sadd.s32 $0xFFFFE003, lr  }
0x1b: {  	s9 =	sadd.s32 $0xFFFFFEF7, lr;
	s5 =	simm.s32 $0xFFFFFFFF;
	p2 =	slt.u32 s8, $0xFFFFF086  }
0x1c: {  	p1 =	slt.u32 s9, $0xF7A;
	s5 =	simm.s32 @!p2 $0x0  }
0x1d: {  	s5 =	simm.s32 @p1 $0x1;
	p0 =	seq.s32 s7, s2  }
0x1e: {  	s7 =	smul.u32 @!p0 $0xF7A, s2;
	p2 =	seq.s32 @!p0 s5, $0x0  }
0x1f: {  	s9 =	smul.u32 $0xF7A, s1;
	s8 =	simm.s32 @!p0 $0x1BF5;
	p2 =	por !p2, p0  }
0x20: {  	[sflag:s8] =	ssyncset.s32 @!p0 $0xFFFFF086;
	s6 =	sadd.s32 @!p0 s3, s7;
	s7 =	simm.s32 @!p0 $0x108  }
0x21: {  	s3 =	sadd.s32 s3, s9;
	s6 =	sadd.s32 @!p0 $0x88, s6;
	s7 =	simm.s32 @p2 $0x1082  }
0x22: {  	[simem:s7], [sflag:s8] =	dma.local @!p0 [hbm:s6], $0xF7A  }
0x23: {  	s9 =	sor.u32 $0xD0000000, s2;
	s6 =	simm.s32 $0x108;
	_ =	swait.ge @!p0 [sflag:s8], $0x0  }
0x24: {  	s3 =	sadd.s32 $0x88, s3;
	s6 =	simm.s32 @!p1 $0x1082;
	[sflag:s4] =	ssyncset.s32 $0xFFFFF086  }
0x25: {  	[simem:s6], [sflag:s4] =	dma.local [hbm:s3], $0xF7A  }
0x26: {  	[smem:$0x3F9B] =	sst s1;
	(tag) =	ssettag s2;
	_ =	strace s9  }
0x27: {  	s1 =	sld [smem:$0x3FAB]  }
0x28: {  	s2 =	sld [smem:$0x3FAC]  }
0x29: {  	s4 =	sld [smem:$0x3FAE]  }
0x2a: {  	p0 =	seq.s32 s5, $0x0;
	s5 =	sld [smem:$0x3FAF]  }
0x2b: {  	s6 =	sld [smem:$0x3FB0]  }
0x2c: {  	s7 =	sld [smem:$0x3FB1]  }
0x2d: {  	s3 =	simm.s32 $0x108;
	s8 =	sld [smem:$0x3FB2]  }
0x2e: {  	s3 =	simm.s32 @!p0 $0x1082;
	s9 =	sld [smem:$0x3FB3]  }
0x2f: {  	lr =	sadd.s32 s0, s3;
	s0 =	sld [smem:$0x3FAA]  }
0x30: {  	s3 =	sld [smem:$0x3FAD]  }
0x31: {  	[smem:$0x3FB6] =	sst s10  }
0x32: {  	s10 =	sld [smem:$0x3FB4];
	_ =	sdelay $0x3  }
0x33: {  	p0 =	seq.s32 s10, $0x1;
	s10 =	sld [smem:$0x3FB6];
	_ =	sdelay $0x3  }
0x34: {  	[smem:$0x3FB6] =	sst s10  }
0x35: {  	s10 =	sld [smem:$0x3FB5];
	_ =	sdelay $0x3  }
0x36: {  	p1 =	seq.s32 s10, $0x1;
	s10 =	sld [smem:$0x3FB6];
	_ =	sdelay $0x3  }
0x37: {  	[smem:$0x3FB6] =	sst s10  }
0x38: {  	s10 =	sld [smem:$0x3FB7]  }
0x39: {  	_ = 	snop;
	(pc) =	sbr.ind lr, $3  }
0x3a: {  	_ = 	snop  }
0x3b: {  	_ = 	snop  }
0x3c: {  	p2 =	seq.s32 s10, $0x1;
	s10 =	sld [smem:$0x3FB6]  }
0x3d: {  	_ =	shalt  }
0x3e: {  	_ =	shalt  }
0x3f: {  	_ =	shalt  }
0x40: {  	_ =	shalt  }
0x41: {  	_ =	shalt  }
0x42: {  	_ =	shalt  }
0x43: {  	_ =	shalt  }
0x44: {  	_ =	shalt  }
0x45: {  	_ =	shalt  }
0x46: {  	_ =	shalt  }
0x47: {  	_ =	shalt  }
0x48: {  	_ =	shalt  }
0x49: {  	_ =	shalt  }
0x4a: {  	_ =	shalt  }
0x4b: {  	_ =	shalt  }
0x4c: {  	_ =	shalt  }
0x4d: {  	_ =	shalt  }
0x4e: {  	_ =	shalt  }
0x4f: {  	_ =	shalt  }
0x50: {  	_ =	shalt  }
0x51: {  	_ =	shalt  }
0x52: {  	_ =	shalt  }
0x53: {  	_ =	shalt  }
0x54: {  	_ =	shalt  }
0x55: {  	_ =	shalt  }
0x56: {  	_ =	shalt  }
0x57: {  	_ =	shalt  }
0x58: {  	_ =	shalt  }
0x59: {  	_ =	shalt  }
0x5a: {  	_ =	shalt  }
0x5b: {  	_ =	shalt  }
0x5c: {  	_ =	shalt  }
0x5d: {  	_ =	shalt  }
0x5e: {  	_ =	shalt  }
0x5f: {  	_ =	shalt  }
0x60: {  	_ =	shalt  }
0x61: {  	_ =	shalt  }
0x62: {  	_ =	shalt  }
0x63: {  	_ =	shalt  }
0x64: {  	_ =	shalt  }
0x65: {  	_ =	shalt  }
0x66: {  	_ =	shalt  }
0x67: {  	_ =	shalt  }
0x68: {  	_ =	shalt  }
0x69: {  	_ =	shalt  }
0x6a: {  	_ =	shalt  }
0x6b: {  	_ =	shalt  }
0x6c: {  	_ =	shalt  }
0x6d: {  	_ =	shalt  }
0x6e: {  	_ =	shalt  }
0x6f: {  	_ =	shalt  }
0x70: {  	_ =	shalt  }
0x71: {  	_ =	shalt  }
0x72: {  	_ =	shalt  }
0x73: {  	_ =	shalt  }
0x74: {  	_ =	shalt  }
0x75: {  	_ =	shalt  }
0x76: {  	_ =	shalt  }
0x77: {  	_ =	shalt  }
0x78: {  	_ =	shalt  }
0x79: {  	_ =	shalt  }
0x7a: {  	_ =	shalt  }
0x7b: {  	_ =	shalt  }
0x7c: {  	_ =	shalt  }
0x7d: {  	_ =	shalt  }
0x7e: {  	_ =	shalt  }
0x7f: {  	_ =	shalt  }
0x80: {  	_ =	shalt  }
0x81: {  	_ =	shalt  }
0x82: {  	_ =	shalt  }
0x83: {  	_ =	shalt  }
0x84: {  	_ =	shalt  }
0x85: {  	_ =	shalt  }
0x86: {  	_ =	shalt  }
0x87: {  	_ =	shalt  }
.Lfunc_end0:
.L_simem_size_0:
called_computation.1_lowered:
.L_overlay_start_0:
0x88: {  	s2 =	sld [smem:$0x3FD9]  }
0x89: {  	s3 =	sld [smem:$0x3FFE];
	_ =	sdelay $0x1  }
0x8a: {  	s1 =	srdreg.scid  }
0x8b: {  	s0 =	sand.u32 $0x1, s1  }
0x8c: {  	s17 =	sshll.u32 s0, $0xA;
	s2 =	sadd.s32 s3, s2  }
0x8d: {  	s2 =	sadd.s32 s2, s17  }
0x8e: {  	[smem:$0x3FC2] =	sst s2  }
0x8f: {  	_ = 	snop  }
0x90: {  	s2 =	sld [smem:$0x3FD0];
	(tm) =	ssettm $0x1  }
0x91: {  	s18 =	sld [smem:$0x3FFB];
	_ =	sdelay $0x3  }
0x92: {  	_ =	strace s18  }
0x93: {  	s3 =	sld [smem:$0x3FFC];
	_ =	sdelay $0x3  }
0x94: {  	_ =	strace s3  }
0x95: {  	s3 =	sld [smem:$0x3FFD];
	_ =	sdelay $0x3  }
0x96: {  	_ =	strace s3  }
0x97: {  	_ =	strace $0x8FFFFFFF  }
0x98: {  	s19 =	sld [smem:$0x3FDB];
	_ =	sdelay $0x1  }
0x99: {  	s4 =	simm.s32 $_scs_section_size  }
0x9a: {  	s5 =	simm.s32 $_size__tile_overlayer_lowered;
	s6 =	simm.s32 $_tile_overlayer_lowered  }
0x9b: {  	s22 =	simm.s32 $0x1BFF;
	s21 =	sshll.u32 s6, $0x1;
	s3 =	sadd.s32 s4, s19  }
0x9c: {  	s7 =	simm.s32 $0x0;
	s20 =	sshll.u32 s5, $0x1;
	s5 =	sadd.s32 s21, s3  }
0x9d: {  	[timem:s7], [sflag:s22] =	dma.local [hbm:s5], s20  }
0x9e: {  	_ =	swait.ge [sflag:s22], s20  }
0x9f: {  	s4 =	ssub.s32 $0x0, s20;
	[sflag:s22] =	ssyncset.done $0x0  }
0xa0: {  	[sflag:s22] =	ssyncadd.s32 s4;
	_ =	sdelay $0x1  }
0xa1: {  	s23 =	simm.s32 $0x1B8B  }
0xa2: {  	_ =	swait.ge [sflag:s23], $0x1  }
0xa3: {  	[sflag:s23] =	ssyncset.done $0x0  }
0xa4: {  	s25 =	simm.s32 $0x1B8E;
	s24 =	sld [smem:$0x3FFE];
	[sflag:s23] =	ssyncadd.s32 $0xFFFFFFFF  }
0xa5: {  	s26 =	simm.s32 $execute0_lowered;
	[smem:$0x3FD2] =	sst s25  }
0xa6: {  	s5 =	sshll.u32 s26, $0x1;
	_ =	strace $0x80000049;
	[dreg:$0x1] =	wrdreg $0xFFFFFFFF  }
0xa7: {  	s28 =	simm.s32 $_size_execute0_lowered;
	s3 =	sadd.s32 s3, s5;
	[dreg:$0x0] =	wrdreg $0x0  }
0xa8: {  	s5 =	sshll.u32 s28, $0x1;
	[dreg:$0x2] =	wrdreg s3  }
0xa9: {  	[dreg:$0x3] =	wrdreg s5  }
0xaa: {  	[dreg:$0x4] =	wrdreg $0xC0  }
0xab: {  	_ =	task [dreg:s7], $0x5FFFF  }
0xac: {  	[dreg:$0x1] =	wrdreg $0xFFFFFFFF  }
0xad: {  	[dreg:$0x0] =	wrdreg $0x60  }
0xae: {  	[dreg:$0x2] =	wrdreg s24  }
0xaf: {  	[dreg:$0x3] =	wrdreg s2  }
0xb0: {  	[dreg:$0x4] =	wrdreg $0x0  }
0xb1: {  	[dreg:$0x5] =	wrdreg $0x9  }
0xb2: {  	_ =	task.clear_ibuf [dreg:s7], $0x6FFFF;
	_ =	strace $0x90000049  }
0xb3: {  	s29 =	simm.s32 $0x9;
	_ =	strace $0x8000004B  }
0xb4: {  	_ =	swait.ge [sflag:s29], $0x1  }
0xb5: {  	[sflag:s29] =	ssyncadd.s32 $0xFFFFFFFF  }
0xb6: {  	_ =	strace $0x9000004B  }
0xb7: {  	_ =	sfence  }
0xb8: {  	s30 =	sld [smem:$0x0];
	_ =	sdelay $0x2  }
0xb9: {  	s31 =	sshll.u32 s1, $0xD;
	s1 =	sshrl.u32 s1, $0x2  }
0xba: {  	s3 =	sand.u32 $0x4000, s31;
	s1 =	sadd.s32 s1, s30  }
0xbb: {  	s0 =	sor.u32 s3, s0;
	s1 =	sshll.u32 s1, $0x11  }
0xbc: {  	s0 =	sor.u32 s1, s0  }
0xbd: {  	s0 =	sadd.s32 $0x8F2B, s0  }
0xbe: {  	[sflag:s0] =	ssyncadd.remote.s32 $0x1  }
0xbf: {  	_ =	sfence.sel $0xFFFF  }
0xc0: {  	[dreg:$0x0] =	wrdreg $0xFFFFFFFF;
	(pc) =	sbr.abs _section_cstart, $3  }
0xc1: {  	[dreg:$0x1] =	wrdreg $0xFFFFFFFF  }
0xc2: {  	_ =	task.clear_ibuf [dreg:s7], $0x2FFFF;
	_ =	strace $0x9FFFFFFF  }
0xc3: {  	(tm) =	ssettm $0x7FFFFFFF  }
tec
execute0_lowered:
.L_overlay_start_1:
0x0: {  	(tag) =	ssettag $0x1  }
0x1: {  	s0 =	rddreg [dreg:$0x0]  }
0x2: {  	s2 =	rddreg [dreg:$0x1]  }
0x3: {  	s3 =	rddreg [dreg:$0x2]  }
0x4: {  	s21 =	stileid.u32;
	s4 =	simm.s32 $0x0;
	s7 =	srdreg.scid  }
0x5: {  	s28 =	simm.s32 $0x2;
	s29 =	simm.s32 $0x16800;
	s9 =	smul.u32 $0x50000, s21  }
0x6: {  	s30 =	simm.s32 $0x16780;
	s31 =	simm.s32 $0x1;
	s15 =	smul.u32 $0x280, s21  }
0x7: {  	s1 =	sshrl.u32 s21, $0x3;
	s8 =	sand.u32 $0x1, s7;
	s7 =	smul.u32 $0x2800, s21  }
0x8: {  	[smem:$0x7FF] =	sst s4;
	s5 =	sshll.u32 s21, $0x7;
	s21 =	smul.u32 $0x14000, s21  }
0x9: {  	s1 =	smul.u32 $0x13C00, s1;
	_ =	strace $0x8000004A;
	s6 =	sand.u32 $0x380, s5  }
0xa: {  	s5 =	sadd.s32 $0x56E00, s0;
	s18 =	ssub.s32 $0x2, s8;
	s25 =	smul.u32 $0x2800, s8  }
0xb: {  	s19 =	sshrl.u32 s18, $0x1;
	s20 =	sshrl.u32 s9, $0x2;
	s11 =	sadd.s32 $0x80, s15  }
0xc: {  	s14 =	sadd.s32 $0x100, s15;
	s16 =	sadd.s32 $0x180, s15;
	s1 =	sor.u32 s6, s1  }
0xd: {  	s10 =	ssub.s32 s18, s19;
	s18 =	smul.u32 $0x140000, s8;
	s8 =	sadd.s32 s20, s3  }
0xe: {  	s22 =	sadd.s32 s25, s15;
	s23 =	sadd.s32 s25, s11;
	s19 =	sshll.u32 s11, $0x7  }
0xf: {  	s13 =	sadd.s32 s25, s14;
	s26 =	sshll.u32 s14, $0x7;
	s17 =	sadd.s32 s25, s16  }
0x10: {  	s20 =	sadd.s32 $0x200, s15;
	s1 =	sshrl.u32 s1, $0x3;
	s6 =	smax.u32 s10, $0x1  }
0x11: {  	s12 =	sadd.s32 s19, s3;
	s24 =	sshll.u32 s13, $0x4;
	s14 =	sadd.s32 s26, s3  }
0x12: {  	s9 =	sadd.s32 s25, s20;
	s20 =	sshll.u32 s20, $0x7;
	s1 =	sadd.s32 s1, s0  }
0x13: {  	s0 =	sadd.s32 $0x1E00, s0;
	[dreg:$0x5] =	wrdreg s6;
	s13 =	sadd.s32 s5, s24  }
0x14: {  	s6 =	sshll.u32 s17, $0x4;
	s17 =	sshll.u32 s9, $0x4;
	s21 =	sadd.s32 s18, s21  }
0x15: {  	s24 =	sadd.s32 s18, s20;
	s1 =	sadd.s32 $0x51E00, s1;
	s15 =	sadd.s32 s5, s6  }
0x16: {  	s17 =	sadd.s32 s5, s17;
	[dreg:$0x4] =	wrdreg s1;
	s1 =	sshll.u32 s22, $0x4  }
0x17: {  	s21 =	sshrl.u32 s21, $0x3;
	s22 =	sshll.u32 s16, $0x7;
	s10 =	sadd.s32 s5, s1  }
0x18: {  	s1 =	sshll.u32 s23, $0x4;
	s16 =	sadd.s32 s22, s3;
	s23 =	sadd.s32 s18, s19  }
0x19: {  	s22 =	sadd.s32 s18, s22;
	s19 =	sadd.s32 s0, s21;
	s11 =	sadd.s32 s5, s1  }
0x1a: {  	s1 =	sadd.s32 s18, s26;
	s18 =	sadd.s32 s20, s3;
	s23 =	sshrl.u32 s23, $0x3  }
0x1b: {  	s22 =	sshrl.u32 s22, $0x3;
	s26 =	sshrl.u32 s24, $0x3;
	s24 =	simm.s32 $0x80  }
0x1c: {  	s20 =	sadd.s32 s0, s23;
	s1 =	sshrl.u32 s1, $0x3;
	s22 =	sadd.s32 s0, s22  }
0x1d: {  	v0 =	vmov s25;
	s23 =	sadd.s32 s0, s26;
	s21 =	sadd.s32 s0, s1;
	s0 =	simm.s32 $0x0  }
.LBB2_1:
0x1e: {  	s1 =	rddreg [dreg:$0x4];
	s6 =	simm.s32 $0x400;
	s9 =	simm.s32 $0x14000  }
0x1f: {  	[tilespmem:s9], [sflag:$0x2] =	stream.strided.gather [hbm4b:s1+s24], $0x2780, s6, s24, $0x38;
	[tilespmem:$0x1A800] =	vst v63  }
0x20: {  	_ =	swait.ge [sflag:s28], $0x2780  }
0x21: {  	[sflag:s28] =	ssyncset.done $0x0  }
0x22: {  	s25 =	simm.s32 $0x40;
	s1 =	simm.s32 $0x0;
	[sflag:s28] =	ssyncadd.s32 $0xFFFFD880  }
.LBB2_2:
0x23: {  	p0 =	sne.s32 s25, $0x9DC0;
	v1 =	vld [tilespmem:s1+$0x14000];
	_ =	sdelay $0x1  }
.Ltmp0:
0x24: {  	(pc) =	sbr.rel @p0 .LBB2_2-.Ltmp0, $3  }
0x25: {  	_ =	sdelay $0x1  }
0x26: {  	v1 =	vadd.s32 v0, v1  }
0x27: {  	[tilespmem:s1+$0x14000] =	vst v1;
	s1 =	sshra.s32 s25, $0x2;
	s25 =	sadd.s32 $0x40, s25  }
0x28: {  	v1 =	vld [tilespmem:s1+$0x14000];
	_ =	sdelay $0x4  }
0x29: {  	v1 =	vadd.s32 v0, v1  }
0x2a: {  	s26 =	simm.s32 $0x0;
	[tilespmem:s1+$0x14000] =	vst v1  }
0x2b: {  	[tilespmem:s29], [sflag:$0x2] =	stream.linear.gather [hbm4b:s10+s26], $0x4000, $0x38;
	[tilespmem:$0x1A800] =	vst v63  }
0x2c: {  	_ =	swait.ge [sflag:s28], $0x4000  }
0x2d: {  	[sflag:s28] =	ssyncset.done $0x0  }
0x2e: {  	[sflag:s28] =	ssyncadd.s32 $0xFFFFC000  }
0x2f: {  	[spmem:s8] =	stream.linear.scatter [tilespmem:s29], [sflag:$0x2], $0x4000, $0x38;
	[tilespmem:$0x1A800] =	vst v63  }
0x30: {  	_ =	swait.ge [sflag:s28], $0x4000  }
0x31: {  	[sflag:s28] =	ssyncset.done $0x0  }
0x32: {  	[sflag:s28] =	ssyncadd.s32 $0xFFFFC000  }
0x33: {  	[tilespmem:s29], [sflag:$0x2] =	stream.linear.gather [hbm4b:s11+s26], $0x4000, $0x38;
	[tilespmem:$0x1A800] =	vst v63  }
0x34: {  	_ =	swait.ge [sflag:s28], $0x4000  }
0x35: {  	[sflag:s28] =	ssyncset.done $0x0  }
0x36: {  	[sflag:s28] =	ssyncadd.s32 $0xFFFFC000  }
0x37: {  	[spmem:s12] =	stream.linear.scatter [tilespmem:s29], [sflag:$0x2], $0x4000, $0x38;
	[tilespmem:$0x1A800] =	vst v63  }
0x38: {  	_ =	swait.ge [sflag:s28], $0x4000  }
0x39: {  	[sflag:s28] =	ssyncset.done $0x0  }
0x3a: {  	[sflag:s28] =	ssyncadd.s32 $0xFFFFC000  }
0x3b: {  	[tilespmem:s29], [sflag:$0x2] =	stream.linear.gather [hbm4b:s13+s26], $0x4000, $0x38;
	[tilespmem:$0x1A800] =	vst v63  }
0x3c: {  	_ =	swait.ge [sflag:s28], $0x4000  }
0x3d: {  	[sflag:s28] =	ssyncset.done $0x0  }
0x3e: {  	[sflag:s28] =	ssyncadd.s32 $0xFFFFC000  }
0x3f: {  	[spmem:s14] =	stream.linear.scatter [tilespmem:s29], [sflag:$0x2], $0x4000, $0x38;
	[tilespmem:$0x1A800] =	vst v63  }
0x40: {  	_ =	swait.ge [sflag:s28], $0x4000  }
0x41: {  	[sflag:s28] =	ssyncset.done $0x0  }
0x42: {  	[sflag:s28] =	ssyncadd.s32 $0xFFFFC000  }
0x43: {  	[tilespmem:s29], [sflag:$0x2] =	stream.linear.gather [hbm4b:s15+s26], $0x4000, $0x38;
	[tilespmem:$0x1A800] =	vst v63  }
0x44: {  	_ =	swait.ge [sflag:s28], $0x4000  }
0x45: {  	[sflag:s28] =	ssyncset.done $0x0  }
0x46: {  	[sflag:s28] =	ssyncadd.s32 $0xFFFFC000  }
0x47: {  	[spmem:s16] =	stream.linear.scatter [tilespmem:s29], [sflag:$0x2], $0x4000, $0x38;
	[tilespmem:$0x1A800] =	vst v63  }
0x48: {  	_ =	swait.ge [sflag:s28], $0x4000  }
0x49: {  	[sflag:s28] =	ssyncset.done $0x0  }
0x4a: {  	[sflag:s28] =	ssyncadd.s32 $0xFFFFC000  }
0x4b: {  	[tilespmem:s29], [sflag:$0x2] =	stream.linear.gather [hbm4b:s17+s26], $0x4000, $0x38;
	[tilespmem:$0x1A800] =	vst v63  }
0x4c: {  	_ =	swait.ge [sflag:s28], $0x4000  }
0x4d: {  	[sflag:s28] =	ssyncset.done $0x0  }
0x4e: {  	s25 =	sand.u32 $0x3C00, s26;
	[sflag:s28] =	ssyncadd.s32 $0xFFFFC000  }
0x4f: {  	[spmem:s18] =	stream.linear.scatter [tilespmem:s29], [sflag:$0x2], $0x4000, $0x38;
	[tilespmem:$0x1A800] =	vst v63  }
0x50: {  	s25 =	sadd.s32 s7, s25;
	s1 =	sand.u32 $0x380, s26;
	_ =	swait.ge [sflag:s28], $0x4000  }
0x51: {  	s1 =	sor.u32 s1, s25;
	[sflag:s28] =	ssyncset.done $0x0  }
0x52: {  	s1 =	sshrl.u32 s1, $0x3;
	[sflag:s28] =	ssyncadd.s32 $0xFFFFC000  }
0x53: {  	s1 =	sadd.s32 s2, s1;
	[bflag:$0x0] =	sbarrier.arrive $0xFFFF  }
0x54: {  	[tilespmem:s30], [sflag:$0x2] =	stream.linear.gather [hbm4b:s1+s4], $0x80, $0x38;
	[tilespmem:$0x1A800] =	vst v63  }
0x55: {  	_ =	swait.ge [sflag:s28], $0x80  }
0x56: {  	[sflag:s28] =	ssyncset.done $0x0  }
0x57: {  	s6 =	simm.s32 $0x14000;
	[sflag:s28] =	ssyncadd.s32 $0xFFFFFF80  }
0x58: {  	[tilespmem:s29], [sflag:$0x1] =	stream.indirect.gather [hbm4b:s5+s24], $0x80, s6, s24, $0xb8;
	[tilespmem:$0x1A800] =	vst v63  }
0x59: {  	_ =	swait.ge [sflag:s31], $0x4000  }
0x5a: {  	s9 =	simm.s32 $0x80;
	[sflag:s31] =	ssyncset.done $0x0  }
0x5b: {  	s25 =	simm.s32 $0x100;
	s26 =	sand.u32 $0x3C00, s9;
	[sflag:s31] =	ssyncadd.s32 $0xFFFFC000  }
0x5c: {  	[spmem:s3] =	stream.indirect.scatter.add.f32 [tilespmem:s29], [sflag:$0x2], $0x80, s30, s24, $0xb8;
	[tilespmem:$0x1A800] =	vst v63  }
0x5d: {  	s26 =	sadd.s32 s7, s26;
	s1 =	sand.u32 $0x380, s9;
	_ =	swait.ge [sflag:s28], $0x4000  }
0x5e: {  	s26 =	sor.u32 s1, s26;
	s1 =	simm.s32 $0x14080;
	[sflag:s28] =	ssyncset.done $0x0  }
.LBB2_4:
0x5f: {  	s26 =	sshrl.u32 s26, $0x3  }
0x60: {  	[sflag:s28] =	ssyncadd.s32 $0xFFFFC000;
	s6 =	smov.u32 s25;
	s9 =	sadd.s32 $0x80, s25  }
0x61: {  	p0 =	sne.s32 s25, $0x2700;
	s25 =	sadd.s32 s2, s26  }
0x62: {  	[tilespmem:s30], [sflag:$0x2] =	stream.linear.gather [hbm4b:s25+s4], $0x80, $0x38;
	[tilespmem:$0x1A800] =	vst v63  }
0x63: {  	_ =	swait.ge [sflag:s28], $0x80  }
0x64: {  	[sflag:s28] =	ssyncset.done $0x0  }
0x65: {  	[sflag:s28] =	ssyncadd.s32 $0xFFFFFF80  }
0x66: {  	[tilespmem:s29], [sflag:$0x1] =	stream.indirect.gather [hbm4b:s5+s24], $0x80, s1, s24, $0xb8;
	[tilespmem:$0x1A800] =	vst v63  }
0x67: {  	_ =	swait.ge [sflag:s31], $0x4000  }
.Ltmp1:
0x68: {  	s25 =	sand.u32 $0x3C00, s6;
	[sflag:s31] =	ssyncset.done $0x0;
	(pc) =	sbr.rel @p0 .LBB2_4-.Ltmp1, $4  }
0x69: {  	s6 =	sand.u32 $0x380, s6;
	s25 =	sadd.s32 s7, s25;
	[sflag:s31] =	ssyncadd.s32 $0xFFFFC000  }
0x6a: {  	[spmem:s3] =	stream.indirect.scatter.add.f32 [tilespmem:s29], [sflag:$0x2], $0x80, s30, s24, $0xb8;
	[tilespmem:$0x1A800] =	vst v63  }
0x6b: {  	s26 =	sor.u32 s6, s25;
	_ =	swait.ge [sflag:s28], $0x4000  }
0x6c: {  	s25 =	smov.u32 s9;
	s1 =	sadd.s32 $0x80, s1;
	[sflag:s28] =	ssyncset.done $0x0  }
0x6d: {  	s6 =	sshrl.u32 s26, $0x3  }
0x6e: {  	[sflag:s28] =	ssyncadd.s32 $0xFFFFC000;
	s6 =	sadd.s32 s2, s6  }
0x6f: {  	[tilespmem:s30], [sflag:$0x2] =	stream.linear.gather [hbm4b:s6+s4], $0x80, $0x38;
	[tilespmem:$0x1A800] =	vst v63  }
0x70: {  	_ =	swait.ge [sflag:s28], $0x80  }
0x71: {  	[sflag:s28] =	ssyncset.done $0x0  }
0x72: {  	[sflag:s28] =	ssyncadd.s32 $0xFFFFFF80  }
0x73: {  	[tilespmem:s29], [sflag:$0x1] =	stream.indirect.gather [hbm4b:s5+s24], $0x80, s1, s24, $0xb8;
	[tilespmem:$0x1A800] =	vst v63  }
0x74: {  	_ =	swait.ge [sflag:s31], $0x4000  }
0x75: {  	[sflag:s31] =	ssyncset.done $0x0  }
0x76: {  	[sflag:s31] =	ssyncadd.s32 $0xFFFFC000  }
0x77: {  	[spmem:s3] =	stream.indirect.scatter.add.f32 [tilespmem:s29], [sflag:$0x2], $0x80, s30, s24, $0xb8;
	[tilespmem:$0x1A800] =	vst v63  }
0x78: {  	_ =	swait.ge [sflag:s28], $0x4000  }
0x79: {  	[sflag:s28] =	ssyncset.done $0x0  }
0x7a: {  	[sflag:s28] =	ssyncadd.s32 $0xFFFFC000  }
0x7b: {  	[bflag:$0x0] =	sbarrier.arrive $0xFFFF  }
0x7c: {  	[tilespmem:s29], [sflag:$0x2] =	stream.linear.gather [spmem:s8], $0x4000, $0x38;
	[tilespmem:$0x1A800] =	vst v63  }
0x7d: {  	_ =	swait.ge [sflag:s28], $0x4000  }
0x7e: {  	[sflag:s28] =	ssyncset.done $0x0  }
0x7f: {  	[sflag:s28] =	ssyncadd.s32 $0xFFFFC000  }
0x80: {  	[hbm4b:s19+s4] =	stream.linear.scatter [tilespmem:s29], [sflag:$0x2], $0x4000, $0x38;
	[tilespmem:$0x1A800] =	vst v63  }
0x81: {  	_ =	swait.ge [sflag:s28], $0x4000  }
0x82: {  	[sflag:s28] =	ssyncset.done $0x0  }
0x83: {  	[sflag:s28] =	ssyncadd.s32 $0xFFFFC000  }
0x84: {  	[tilespmem:s29], [sflag:$0x2] =	stream.linear.gather [spmem:s12], $0x4000, $0x38;
	[tilespmem:$0x1A800] =	vst v63  }
0x85: {  	_ =	swait.ge [sflag:s28], $0x4000  }
0x86: {  	[sflag:s28] =	ssyncset.done $0x0  }
0x87: {  	[sflag:s28] =	ssyncadd.s32 $0xFFFFC000  }
0x88: {  	[hbm4b:s20+s4] =	stream.linear.scatter [tilespmem:s29], [sflag:$0x2], $0x4000, $0x38;
	[tilespmem:$0x1A800] =	vst v63  }
0x89: {  	_ =	swait.ge [sflag:s28], $0x4000  }
0x8a: {  	[sflag:s28] =	ssyncset.done $0x0  }
0x8b: {  	[sflag:s28] =	ssyncadd.s32 $0xFFFFC000  }
0x8c: {  	[tilespmem:s29], [sflag:$0x2] =	stream.linear.gather [spmem:s14], $0x4000, $0x38;
	[tilespmem:$0x1A800] =	vst v63  }
0x8d: {  	_ =	swait.ge [sflag:s28], $0x4000  }
0x8e: {  	[sflag:s28] =	ssyncset.done $0x0  }
0x8f: {  	[sflag:s28] =	ssyncadd.s32 $0xFFFFC000  }
0x90: {  	[hbm4b:s21+s4] =	stream.linear.scatter [tilespmem:s29], [sflag:$0x2], $0x4000, $0x38;
	[tilespmem:$0x1A800] =	vst v63  }
0x91: {  	_ =	swait.ge [sflag:s28], $0x4000  }
0x92: {  	[sflag:s28] =	ssyncset.done $0x0  }
0x93: {  	[sflag:s28] =	ssyncadd.s32 $0xFFFFC000  }
0x94: {  	[tilespmem:s29], [sflag:$0x2] =	stream.linear.gather [spmem:s16], $0x4000, $0x38;
	[tilespmem:$0x1A800] =	vst v63  }
0x95: {  	_ =	swait.ge [sflag:s28], $0x4000  }
0x96: {  	[sflag:s28] =	ssyncset.done $0x0  }
0x97: {  	[sflag:s28] =	ssyncadd.s32 $0xFFFFC000  }
0x98: {  	[hbm4b:s22+s4] =	stream.linear.scatter [tilespmem:s29], [sflag:$0x2], $0x4000, $0x38;
	[tilespmem:$0x1A800] =	vst v63  }
0x99: {  	_ =	swait.ge [sflag:s28], $0x4000  }
0x9a: {  	[sflag:s28] =	ssyncset.done $0x0  }
0x9b: {  	[sflag:s28] =	ssyncadd.s32 $0xFFFFC000  }
0x9c: {  	[tilespmem:s29], [sflag:$0x2] =	stream.linear.gather [spmem:s18], $0x4000, $0x38;
	[tilespmem:$0x1A800] =	vst v63  }
0x9d: {  	_ =	swait.ge [sflag:s28], $0x4000  }
0x9e: {  	[sflag:s28] =	ssyncset.done $0x0  }
0x9f: {  	[sflag:s28] =	ssyncadd.s32 $0xFFFFC000  }
0xa0: {  	[hbm4b:s23+s4] =	stream.linear.scatter [tilespmem:s29], [sflag:$0x2], $0x4000, $0x38;
	[tilespmem:$0x1A800] =	vst v63  }
0xa1: {  	_ =	swait.ge [sflag:s28], $0x4000  }
0xa2: {  	s0 =	sadd.s32 $0x1, s0;
	s26 =	rddreg [dreg:$0x5]  }
0xa3: {  	p0 =	sne.s32 s0, s26  }
.Ltmp2:
0xa4: {  	_ = 	snop;
	(pc) =	sbr.rel @p0 .LBB2_1-.Ltmp2, $3  }
0xa5: {  	_ =	sdelay $0x1  }
0xa6: {  	[sflag:s28] =	ssyncset.done $0x0  }
0xa7: {  	[sflag:s28] =	ssyncadd.s32 $0xFFFFC000  }
0xa8: {  	_ =	sfence.sel $0x180000  }
0xa9: {  	[bflag:$0x0] =	sbarrier.arrive $0xFFFF  }
0xaa: {  	_ =	strace $0x9000004A  }
0xab: {  	s0 =	stileid.u32;
	[bflag:$0x2] =	sbarrier.arrive $0xFFFF  }
0xac: {  	p0 =	sne.s32 s0, $0x0;
	s0 =	rddreg [dreg:$0x3]  }
0xad: {  	s0 =	sadd.s32 @!p0 $0x100000, s0  }
0xae: {  	[sflag:s0] =	ssyncadd.tile.s32 @!p0 $0x1;
	_ =	shalt  }
.Lfunc_end2:
_tile_overlayer_lowered:
.L_overlay_start_2:
0xaf: {  	(tag) =	ssettag $0x2  }
0xb0: {  	s0 =	rddreg [dreg:$0x0];
	s2 =	stileid.u32  }
0xb1: {  	s1 =	rddreg [dreg:$0x1];
	p0 =	sne.s32 s2, $0x0  }
0xb2: {  	s3 =	rddreg [dreg:$0x2];
	[bflag:$0x3] =	sbarrier.arrive $0xFFFF;
	s2 =	simm.s32 @!p0 $0x1C02  }
0xb3: {  	[timem:s3], [sflag:s2] =	dma.local @!p0 [hbm:s0], s1  }
0xb4: {  	s0 =	simm.s32 @!p0 $0x2  }
0xb5: {  	_ =	swait.ge @!p0 [sflag:s0], s1  }
0xb6: {  	s1 =	ssub.s32 @!p0 $0x0, s1;
	[sflag:s0] =	ssyncset.done @!p0 $0x0  }
0xb7: {  	[sflag:s0] =	ssyncadd.s32 @!p0 s1  }
0xb8: {  	[bflag:$0x3] =	sbarrier.arrive $0xFFFF  }
0xb9: {  	_ =	shalt  }

// kernel: kernel.14.cloned.1.call-start
scs
__scs_entry_jumppad:
0x0: {  	(pc) =	sbr.rel $0x88, $3  }
0x1: {  	(tag) =	ssettag $0x0;
	lr =	simm.s32 $0x1  }
0x2: {  	[smem:$0x3F9B] =	sst lr;
	_ =	strace $0xD0000000  }
0x3: {  	_ = 	snop  }
0x4: {  	_ = 	snop  }
0x5: {  	_ = 	snop  }
0x6: {  	_ = 	snop  }
0x7: {  	_ = 	snop  }
__scs_overlays_trampoline_lowered:
0x8: {  	[smem:$0x3FAA] =	sst s0  }
0x9: {  	[smem:$0x3FAB] =	sst s1  }
0xa: {  	[smem:$0x3FAC] =	sst s2  }
0xb: {  	[smem:$0x3FAD] =	sst s3  }
0xc: {  	[smem:$0x3FAE] =	sst s4  }
0xd: {  	[smem:$0x3FAF] =	sst s5  }
0xe: {  	[smem:$0x3FB0] =	sst s6  }
0xf: {  	[smem:$0x3FB1] =	sst s7  }
0x10: {  	[smem:$0x3FB2] =	sst s8  }
0x11: {  	[smem:$0x3FB3] =	sst s9;
	s0 =	simm.s32 @!p0 $0x0  }
0x12: {  	s1 =	sld [smem:$0x3F99];
	s0 =	simm.s32 @p0 $0x1  }
0x13: {  	[smem:$0x3FB4] =	sst s0;
	s0 =	simm.s32 @!p1 $0x0  }
0x14: {  	s2 =	sld [smem:$0x3F98];
	s0 =	simm.s32 @p1 $0x1  }
0x15: {  	[smem:$0x3FB5] =	sst s0;
	s0 =	simm.s32 @!p2 $0x0  }
0x16: {  	s3 =	sld [smem:$0x3FDB];
	s0 =	simm.s32 @p2 $0x1  }
0x17: {  	s4 =	simm.s32 $0x1BF5;
	[smem:$0x3FB7] =	sst s0  }
0x18: {  	s0 =	sld [smem:$0x3F9A];
	_ =	swait.ge [sflag:s4], $0x0  }
0x19: {  	s7 =	sld [smem:$0x3F9B]  }
0x1a: {  	s8 =	sadd.s32 $0xFFFFE003, lr  }
0x1b: {  	s9 =	sadd.s32 $0xFFFFFEF7, lr;
	s5 =	simm.s32 $0xFFFFFFFF;
	p2 =	slt.u32 s8, $0xFFFFF086  }
0x1c: {  	p1 =	slt.u32 s9, $0xF7A;
	s5 =	simm.s32 @!p2 $0x0  }
0x1d: {  	s5 =	simm.s32 @p1 $0x1;
	p0 =	seq.s32 s7, s2  }
0x1e: {  	s7 =	smul.u32 @!p0 $0xF7A, s2;
	p2 =	seq.s32 @!p0 s5, $0x0  }
0x1f: {  	s9 =	smul.u32 $0xF7A, s1;
	s8 =	simm.s32 @!p0 $0x1BF5;
	p2 =	por !p2, p0  }
0x20: {  	[sflag:s8] =	ssyncset.s32 @!p0 $0xFFFFF086;
	s6 =	sadd.s32 @!p0 s3, s7;
	s7 =	simm.s32 @!p0 $0x108  }
0x21: {  	s3 =	sadd.s32 s3, s9;
	s6 =	sadd.s32 @!p0 $0x88, s6;
	s7 =	simm.s32 @p2 $0x1082  }
0x22: {  	[simem:s7], [sflag:s8] =	dma.local @!p0 [hbm:s6], $0xF7A  }
0x23: {  	s9 =	sor.u32 $0xD0000000, s2;
	s6 =	simm.s32 $0x108;
	_ =	swait.ge @!p0 [sflag:s8], $0x0  }
0x24: {  	s3 =	sadd.s32 $0x88, s3;
	s6 =	simm.s32 @!p1 $0x1082;
	[sflag:s4] =	ssyncset.s32 $0xFFFFF086  }
0x25: {  	[simem:s6], [sflag:s4] =	dma.local [hbm:s3], $0xF7A  }
0x26: {  	[smem:$0x3F9B] =	sst s1;
	(tag) =	ssettag s2;
	_ =	strace s9  }
0x27: {  	s1 =	sld [smem:$0x3FAB]  }
0x28: {  	s2 =	sld [smem:$0x3FAC]  }
0x29: {  	s4 =	sld [smem:$0x3FAE]  }
0x2a: {  	p0 =	seq.s32 s5, $0x0;
	s5 =	sld [smem:$0x3FAF]  }
0x2b: {  	s6 =	sld [smem:$0x3FB0]  }
0x2c: {  	s7 =	sld [smem:$0x3FB1]  }
0x2d: {  	s3 =	simm.s32 $0x108;
	s8 =	sld [smem:$0x3FB2]  }
0x2e: {  	s3 =	simm.s32 @!p0 $0x1082;
	s9 =	sld [smem:$0x3FB3]  }
0x2f: {  	lr =	sadd.s32 s0, s3;
	s0 =	sld [smem:$0x3FAA]  }
0x30: {  	s3 =	sld [smem:$0x3FAD]  }
0x31: {  	[smem:$0x3FB6] =	sst s10  }
0x32: {  	s10 =	sld [smem:$0x3FB4];
	_ =	sdelay $0x3  }
0x33: {  	p0 =	seq.s32 s10, $0x1;
	s10 =	sld [smem:$0x3FB6];
	_ =	sdelay $0x3  }
0x34: {  	[smem:$0x3FB6] =	sst s10  }
0x35: {  	s10 =	sld [smem:$0x3FB5];
	_ =	sdelay $0x3  }
0x36: {  	p1 =	seq.s32 s10, $0x1;
	s10 =	sld [smem:$0x3FB6];
	_ =	sdelay $0x3  }
0x37: {  	[smem:$0x3FB6] =	sst s10  }
0x38: {  	s10 =	sld [smem:$0x3FB7]  }
0x39: {  	_ = 	snop;
	(pc) =	sbr.ind lr, $3  }
0x3a: {  	_ = 	snop  }
0x3b: {  	_ = 	snop  }
0x3c: {  	p2 =	seq.s32 s10, $0x1;
	s10 =	sld [smem:$0x3FB6]  }
0x3d: {  	_ =	shalt  }
0x3e: {  	_ =	shalt  }
0x3f: {  	_ =	shalt  }
0x40: {  	_ =	shalt  }
0x41: {  	_ =	shalt  }
0x42: {  	_ =	shalt  }
0x43: {  	_ =	shalt  }
0x44: {  	_ =	shalt  }
0x45: {  	_ =	shalt  }
0x46: {  	_ =	shalt  }
0x47: {  	_ =	shalt  }
0x48: {  	_ =	shalt  }
0x49: {  	_ =	shalt  }
0x4a: {  	_ =	shalt  }
0x4b: {  	_ =	shalt  }
0x4c: {  	_ =	shalt  }
0x4d: {  	_ =	shalt  }
0x4e: {  	_ =	shalt  }
0x4f: {  	_ =	shalt  }
0x50: {  	_ =	shalt  }
0x51: {  	_ =	shalt  }
0x52: {  	_ =	shalt  }
0x53: {  	_ =	shalt  }
0x54: {  	_ =	shalt  }
0x55: {  	_ =	shalt  }
0x56: {  	_ =	shalt  }
0x57: {  	_ =	shalt  }
0x58: {  	_ =	shalt  }
0x59: {  	_ =	shalt  }
0x5a: {  	_ =	shalt  }
0x5b: {  	_ =	shalt  }
0x5c: {  	_ =	shalt  }
0x5d: {  	_ =	shalt  }
0x5e: {  	_ =	shalt  }
0x5f: {  	_ =	shalt  }
0x60: {  	_ =	shalt  }
0x61: {  	_ =	shalt  }
0x62: {  	_ =	shalt  }
0x63: {  	_ =	shalt  }
0x64: {  	_ =	shalt  }
0x65: {  	_ =	shalt  }
0x66: {  	_ =	shalt  }
0x67: {  	_ =	shalt  }
0x68: {  	_ =	shalt  }
0x69: {  	_ =	shalt  }
0x6a: {  	_ =	shalt  }
0x6b: {  	_ =	shalt  }
0x6c: {  	_ =	shalt  }
0x6d: {  	_ =	shalt  }
0x6e: {  	_ =	shalt  }
0x6f: {  	_ =	shalt  }
0x70: {  	_ =	shalt  }
0x71: {  	_ =	shalt  }
0x72: {  	_ =	shalt  }
0x73: {  	_ =	shalt  }
0x74: {  	_ =	shalt  }
0x75: {  	_ =	shalt  }
0x76: {  	_ =	shalt  }
0x77: {  	_ =	shalt  }
0x78: {  	_ =	shalt  }
0x79: {  	_ =	shalt  }
0x7a: {  	_ =	shalt  }
0x7b: {  	_ =	shalt  }
0x7c: {  	_ =	shalt  }
0x7d: {  	_ =	shalt  }
0x7e: {  	_ =	shalt  }
0x7f: {  	_ =	shalt  }
0x80: {  	_ =	shalt  }
0x81: {  	_ =	shalt  }
0x82: {  	_ =	shalt  }
0x83: {  	_ =	shalt  }
0x84: {  	_ =	shalt  }
0x85: {  	_ =	shalt  }
0x86: {  	_ =	shalt  }
0x87: {  	_ =	shalt  }
.Lfunc_end0:
.L_simem_size_0:
called_computation.2_lowered:
.L_overlay_start_0:
0x88: {  	s2 =	sld [smem:$0x3FD9]  }
0x89: {  	s3 =	sld [smem:$0x3FFE];
	_ =	sdelay $0x1  }
0x8a: {  	s1 =	srdreg.scid  }
0x8b: {  	s0 =	sand.u32 $0x1, s1  }
0x8c: {  	s17 =	sshll.u32 s0, $0xA;
	s2 =	sadd.s32 s3, s2  }
0x8d: {  	s2 =	sadd.s32 s2, s17  }
0x8e: {  	[smem:$0x3FC2] =	sst s2  }
0x8f: {  	_ = 	snop  }
0x90: {  	s2 =	sld [smem:$0x3FD0];
	(tm) =	ssettm $0x1  }
0x91: {  	s18 =	sld [smem:$0x3FFB];
	_ =	sdelay $0x3  }
0x92: {  	_ =	strace s18  }
0x93: {  	s3 =	sld [smem:$0x3FFC];
	_ =	sdelay $0x3  }
0x94: {  	_ =	strace s3  }
0x95: {  	s3 =	sld [smem:$0x3FFD];
	_ =	sdelay $0x3  }
0x96: {  	_ =	strace s3  }
0x97: {  	_ =	strace $0x8FFFFFFF  }
0x98: {  	s19 =	sld [smem:$0x3FDB];
	_ =	sdelay $0x1  }
0x99: {  	s4 =	simm.s32 $_scs_section_size  }
0x9a: {  	s5 =	simm.s32 $_size__tile_overlayer_lowered;
	s6 =	simm.s32 $_tile_overlayer_lowered  }
0x9b: {  	s22 =	simm.s32 $0x1BFF;
	s21 =	sshll.u32 s6, $0x1;
	s3 =	sadd.s32 s4, s19  }
0x9c: {  	s7 =	simm.s32 $0x0;
	s20 =	sshll.u32 s5, $0x1;
	s5 =	sadd.s32 s21, s3  }
0x9d: {  	[timem:s7], [sflag:s22] =	dma.local [hbm:s5], s20  }
0x9e: {  	_ =	swait.ge [sflag:s22], s20  }
0x9f: {  	s4 =	ssub.s32 $0x0, s20;
	[sflag:s22] =	ssyncset.done $0x0  }
0xa0: {  	[sflag:s22] =	ssyncadd.s32 s4;
	_ =	sdelay $0x1  }
0xa1: {  	s23 =	simm.s32 $0x1B8B  }
0xa2: {  	_ =	swait.ge [sflag:s23], $0x1  }
0xa3: {  	[sflag:s23] =	ssyncset.done $0x0  }
0xa4: {  	s25 =	simm.s32 $0x1B8E;
	s24 =	sld [smem:$0x3FFE];
	[sflag:s23] =	ssyncadd.s32 $0xFFFFFFFF  }
0xa5: {  	s26 =	simm.s32 $execute0_lowered;
	[smem:$0x3FD2] =	sst s25  }
0xa6: {  	s5 =	sshll.u32 s26, $0x1;
	_ =	strace $0x8000004C;
	[dreg:$0x1] =	wrdreg $0xFFFFFFFF  }
0xa7: {  	s28 =	simm.s32 $_size_execute0_lowered;
	s3 =	sadd.s32 s3, s5;
	[dreg:$0x0] =	wrdreg $0x0  }
0xa8: {  	s5 =	sshll.u32 s28, $0x1;
	[dreg:$0x2] =	wrdreg s3  }
0xa9: {  	[dreg:$0x3] =	wrdreg s5  }
0xaa: {  	[dreg:$0x4] =	wrdreg $0xC0  }
0xab: {  	_ =	task [dreg:s7], $0x5FFFF  }
0xac: {  	[dreg:$0x1] =	wrdreg $0xFFFFFFFF  }
0xad: {  	[dreg:$0x0] =	wrdreg $0x60  }
0xae: {  	[dreg:$0x2] =	wrdreg s24  }
0xaf: {  	[dreg:$0x3] =	wrdreg s2  }
0xb0: {  	[dreg:$0x4] =	wrdreg $0x0  }
0xb1: {  	[dreg:$0x5] =	wrdreg $0x9  }
0xb2: {  	_ =	task.clear_ibuf [dreg:s7], $0x6FFFF;
	_ =	strace $0x9000004C  }
0xb3: {  	s29 =	simm.s32 $0x9;
	_ =	strace $0x8000004E  }
0xb4: {  	_ =	swait.ge [sflag:s29], $0x1  }
0xb5: {  	[sflag:s29] =	ssyncadd.s32 $0xFFFFFFFF  }
0xb6: {  	_ =	strace $0x9000004E  }
0xb7: {  	_ =	sfence  }
0xb8: {  	s30 =	sld [smem:$0x0];
	_ =	sdelay $0x2  }
0xb9: {  	s31 =	sshll.u32 s1, $0xD;
	s1 =	sshrl.u32 s1, $0x2  }
0xba: {  	s3 =	sand.u32 $0x4000, s31;
	s1 =	sadd.s32 s1, s30  }
0xbb: {  	s0 =	sor.u32 s3, s0;
	s1 =	sshll.u32 s1, $0x11  }
0xbc: {  	s0 =	sor.u32 s1, s0  }
0xbd: {  	s0 =	sadd.s32 $0x8F2B, s0  }
0xbe: {  	[sflag:s0] =	ssyncadd.remote.s32 $0x1  }
0xbf: {  	_ =	sfence.sel $0xFFFF  }
0xc0: {  	[dreg:$0x0] =	wrdreg $0xFFFFFFFF;
	(pc) =	sbr.abs _section_cstart, $3  }
0xc1: {  	[dreg:$0x1] =	wrdreg $0xFFFFFFFF  }
0xc2: {  	_ =	task.clear_ibuf [dreg:s7], $0x2FFFF;
	_ =	strace $0x9FFFFFFF  }
0xc3: {  	(tm) =	ssettm $0x7FFFFFFF  }
tec
execute0_lowered:
.L_overlay_start_1:
0x0: {  	(tag) =	ssettag $0x1  }
0x1: {  	s0 =	rddreg [dreg:$0x0]  }
0x2: {  	s2 =	rddreg [dreg:$0x1]  }
0x3: {  	s3 =	rddreg [dreg:$0x2]  }
0x4: {  	s21 =	stileid.u32;
	s4 =	simm.s32 $0x0;
	s7 =	srdreg.scid  }
0x5: {  	s28 =	simm.s32 $0x2;
	s29 =	simm.s32 $0x16800;
	s9 =	smul.u32 $0x50000, s21  }
0x6: {  	s30 =	simm.s32 $0x16780;
	s31 =	simm.s32 $0x1;
	s15 =	smul.u32 $0x280, s21  }
0x7: {  	s1 =	sshrl.u32 s21, $0x3;
	s8 =	sand.u32 $0x1, s7;
	s7 =	smul.u32 $0x2800, s21  }
0x8: {  	[smem:$0x7FF] =	sst s4;
	s5 =	sshll.u32 s21, $0x7;
	s21 =	smul.u32 $0x14000, s21  }
0x9: {  	s1 =	smul.u32 $0x13C00, s1;
	_ =	strace $0x8000004D;
	s6 =	sand.u32 $0x380, s5  }
0xa: {  	s5 =	sadd.s32 $0x1E00, s0;
	s18 =	ssub.s32 $0x2, s8;
	s25 =	smul.u32 $0x2800, s8  }
0xb: {  	s19 =	sshrl.u32 s18, $0x1;
	s20 =	sshrl.u32 s9, $0x2;
	s11 =	sadd.s32 $0x80, s15  }
0xc: {  	s14 =	sadd.s32 $0x100, s15;
	s16 =	sadd.s32 $0x180, s15;
	s1 =	sor.u32 s6, s1  }
0xd: {  	s10 =	ssub.s32 s18, s19;
	s18 =	smul.u32 $0x140000, s8;
	s8 =	sadd.s32 s20, s3  }
0xe: {  	s22 =	sadd.s32 s25, s15;
	s23 =	sadd.s32 s25, s11;
	s19 =	sshll.u32 s11, $0x7  }
0xf: {  	s13 =	sadd.s32 s25, s14;
	s26 =	sshll.u32 s14, $0x7;
	s17 =	sadd.s32 s25, s16  }
0x10: {  	s20 =	sadd.s32 $0x200, s15;
	s1 =	sshrl.u32 s1, $0x3;
	s6 =	smax.u32 s10, $0x1  }
0x11: {  	s12 =	sadd.s32 s19, s3;
	s24 =	sshll.u32 s13, $0x4;
	s14 =	sadd.s32 s26, s3  }
0x12: {  	s9 =	sadd.s32 s25, s20;
	s20 =	sshll.u32 s20, $0x7;
	s1 =	sadd.s32 s1, s0  }
0x13: {  	s0 =	sadd.s32 $0x56E00, s0;
	[dreg:$0x5] =	wrdreg s6;
	s13 =	sadd.s32 s5, s24  }
0x14: {  	s6 =	sshll.u32 s17, $0x4;
	s17 =	sshll.u32 s9, $0x4;
	s21 =	sadd.s32 s18, s21  }
0x15: {  	s24 =	sadd.s32 s18, s20;
	s1 =	sadd.s32 $0x51E00, s1;
	s15 =	sadd.s32 s5, s6  }
0x16: {  	s17 =	sadd.s32 s5, s17;
	[dreg:$0x4] =	wrdreg s1;
	s1 =	sshll.u32 s22, $0x4  }
0x17: {  	s21 =	sshrl.u32 s21, $0x3;
	s22 =	sshll.u32 s16, $0x7;
	s10 =	sadd.s32 s5, s1  }
0x18: {  	s1 =	sshll.u32 s23, $0x4;
	s16 =	sadd.s32 s22, s3;
	s23 =	sadd.s32 s18, s19  }
0x19: {  	s22 =	sadd.s32 s18, s22;
	s19 =	sadd.s32 s0, s21;
	s11 =	sadd.s32 s5, s1  }
0x1a: {  	s1 =	sadd.s32 s18, s26;
	s18 =	sadd.s32 s20, s3;
	s23 =	sshrl.u32 s23, $0x3  }
0x1b: {  	s22 =	sshrl.u32 s22, $0x3;
	s26 =	sshrl.u32 s24, $0x3;
	s24 =	simm.s32 $0x80  }
0x1c: {  	s20 =	sadd.s32 s0, s23;
	s1 =	sshrl.u32 s1, $0x3;
	s22 =	sadd.s32 s0, s22  }
0x1d: {  	v0 =	vmov s25;
	s23 =	sadd.s32 s0, s26;
	s21 =	sadd.s32 s0, s1;
	s0 =	simm.s32 $0x0  }
.LBB2_1:
0x1e: {  	s1 =	rddreg [dreg:$0x4];
	s6 =	simm.s32 $0x400;
	s9 =	simm.s32 $0x14000  }
0x1f: {  	[tilespmem:s9], [sflag:$0x2] =	stream.strided.gather [hbm4b:s1+s24], $0x2780, s6, s24, $0x38;
	[tilespmem:$0x1A800] =	vst v63  }
0x20: {  	_ =	swait.ge [sflag:s28], $0x2780  }
0x21: {  	[sflag:s28] =	ssyncset.done $0x0  }
0x22: {  	s25 =	simm.s32 $0x40;
	s1 =	simm.s32 $0x0;
	[sflag:s28] =	ssyncadd.s32 $0xFFFFD880  }
.LBB2_2:
0x23: {  	p0 =	sne.s32 s25, $0x9DC0;
	v1 =	vld [tilespmem:s1+$0x14000];
	_ =	sdelay $0x1  }
.Ltmp0:
0x24: {  	(pc) =	sbr.rel @p0 .LBB2_2-.Ltmp0, $3  }
0x25: {  	_ =	sdelay $0x1  }
0x26: {  	v1 =	vadd.s32 v0, v1  }
0x27: {  	[tilespmem:s1+$0x14000] =	vst v1;
	s1 =	sshra.s32 s25, $0x2;
	s25 =	sadd.s32 $0x40, s25  }
0x28: {  	v1 =	vld [tilespmem:s1+$0x14000];
	_ =	sdelay $0x4  }
0x29: {  	v1 =	vadd.s32 v0, v1  }
0x2a: {  	s26 =	simm.s32 $0x0;
	[tilespmem:s1+$0x14000] =	vst v1  }
0x2b: {  	[tilespmem:s29], [sflag:$0x2] =	stream.linear.gather [hbm4b:s10+s26], $0x4000, $0x38;
	[tilespmem:$0x1A800] =	vst v63  }
0x2c: {  	_ =	swait.ge [sflag:s28], $0x4000  }
0x2d: {  	[sflag:s28] =	ssyncset.done $0x0  }
0x2e: {  	[sflag:s28] =	ssyncadd.s32 $0xFFFFC000  }
0x2f: {  	[spmem:s8] =	stream.linear.scatter [tilespmem:s29], [sflag:$0x2], $0x4000, $0x38;
	[tilespmem:$0x1A800] =	vst v63  }
0x30: {  	_ =	swait.ge [sflag:s28], $0x4000  }
0x31: {  	[sflag:s28] =	ssyncset.done $0x0  }
0x32: {  	[sflag:s28] =	ssyncadd.s32 $0xFFFFC000  }
0x33: {  	[tilespmem:s29], [sflag:$0x2] =	stream.linear.gather [hbm4b:s11+s26], $0x4000, $0x38;
	[tilespmem:$0x1A800] =	vst v63  }
0x34: {  	_ =	swait.ge [sflag:s28], $0x4000  }
0x35: {  	[sflag:s28] =	ssyncset.done $0x0  }
0x36: {  	[sflag:s28] =	ssyncadd.s32 $0xFFFFC000  }
0x37: {  	[spmem:s12] =	stream.linear.scatter [tilespmem:s29], [sflag:$0x2], $0x4000, $0x38;
	[tilespmem:$0x1A800] =	vst v63  }
0x38: {  	_ =	swait.ge [sflag:s28], $0x4000  }
0x39: {  	[sflag:s28] =	ssyncset.done $0x0  }
0x3a: {  	[sflag:s28] =	ssyncadd.s32 $0xFFFFC000  }
0x3b: {  	[tilespmem:s29], [sflag:$0x2] =	stream.linear.gather [hbm4b:s13+s26], $0x4000, $0x38;
	[tilespmem:$0x1A800] =	vst v63  }
0x3c: {  	_ =	swait.ge [sflag:s28], $0x4000  }
0x3d: {  	[sflag:s28] =	ssyncset.done $0x0  }
0x3e: {  	[sflag:s28] =	ssyncadd.s32 $0xFFFFC000  }
0x3f: {  	[spmem:s14] =	stream.linear.scatter [tilespmem:s29], [sflag:$0x2], $0x4000, $0x38;
	[tilespmem:$0x1A800] =	vst v63  }
0x40: {  	_ =	swait.ge [sflag:s28], $0x4000  }
0x41: {  	[sflag:s28] =	ssyncset.done $0x0  }
0x42: {  	[sflag:s28] =	ssyncadd.s32 $0xFFFFC000  }
0x43: {  	[tilespmem:s29], [sflag:$0x2] =	stream.linear.gather [hbm4b:s15+s26], $0x4000, $0x38;
	[tilespmem:$0x1A800] =	vst v63  }
0x44: {  	_ =	swait.ge [sflag:s28], $0x4000  }
0x45: {  	[sflag:s28] =	ssyncset.done $0x0  }
0x46: {  	[sflag:s28] =	ssyncadd.s32 $0xFFFFC000  }
0x47: {  	[spmem:s16] =	stream.linear.scatter [tilespmem:s29], [sflag:$0x2], $0x4000, $0x38;
	[tilespmem:$0x1A800] =	vst v63  }
0x48: {  	_ =	swait.ge [sflag:s28], $0x4000  }
0x49: {  	[sflag:s28] =	ssyncset.done $0x0  }
0x4a: {  	[sflag:s28] =	ssyncadd.s32 $0xFFFFC000  }
0x4b: {  	[tilespmem:s29], [sflag:$0x2] =	stream.linear.gather [hbm4b:s17+s26], $0x4000, $0x38;
	[tilespmem:$0x1A800] =	vst v63  }
0x4c: {  	_ =	swait.ge [sflag:s28], $0x4000  }
0x4d: {  	[sflag:s28] =	ssyncset.done $0x0  }
0x4e: {  	s25 =	sand.u32 $0x3C00, s26;
	[sflag:s28] =	ssyncadd.s32 $0xFFFFC000  }
0x4f: {  	[spmem:s18] =	stream.linear.scatter [tilespmem:s29], [sflag:$0x2], $0x4000, $0x38;
	[tilespmem:$0x1A800] =	vst v63  }
0x50: {  	s25 =	sadd.s32 s7, s25;
	s1 =	sand.u32 $0x380, s26;
	_ =	swait.ge [sflag:s28], $0x4000  }
0x51: {  	s1 =	sor.u32 s1, s25;
	[sflag:s28] =	ssyncset.done $0x0  }
0x52: {  	s1 =	sshrl.u32 s1, $0x3;
	[sflag:s28] =	ssyncadd.s32 $0xFFFFC000  }
0x53: {  	s1 =	sadd.s32 s2, s1;
	[bflag:$0x0] =	sbarrier.arrive $0xFFFF  }
0x54: {  	[tilespmem:s30], [sflag:$0x2] =	stream.linear.gather [hbm4b:s1+s4], $0x80, $0x38;
	[tilespmem:$0x1A800] =	vst v63  }
0x55: {  	_ =	swait.ge [sflag:s28], $0x80  }
0x56: {  	[sflag:s28] =	ssyncset.done $0x0  }
0x57: {  	s6 =	simm.s32 $0x14000;
	[sflag:s28] =	ssyncadd.s32 $0xFFFFFF80  }
0x58: {  	[tilespmem:s29], [sflag:$0x1] =	stream.indirect.gather [hbm4b:s5+s24], $0x80, s6, s24, $0xb8;
	[tilespmem:$0x1A800] =	vst v63  }
0x59: {  	_ =	swait.ge [sflag:s31], $0x4000  }
0x5a: {  	s9 =	simm.s32 $0x80;
	[sflag:s31] =	ssyncset.done $0x0  }
0x5b: {  	s25 =	simm.s32 $0x100;
	s26 =	sand.u32 $0x3C00, s9;
	[sflag:s31] =	ssyncadd.s32 $0xFFFFC000  }
0x5c: {  	[spmem:s3] =	stream.indirect.scatter.add.f32 [tilespmem:s29], [sflag:$0x2], $0x80, s30, s24, $0xb8;
	[tilespmem:$0x1A800] =	vst v63  }
0x5d: {  	s26 =	sadd.s32 s7, s26;
	s1 =	sand.u32 $0x380, s9;
	_ =	swait.ge [sflag:s28], $0x4000  }
0x5e: {  	s26 =	sor.u32 s1, s26;
	s1 =	simm.s32 $0x14080;
	[sflag:s28] =	ssyncset.done $0x0  }
.LBB2_4:
0x5f: {  	s26 =	sshrl.u32 s26, $0x3  }
0x60: {  	[sflag:s28] =	ssyncadd.s32 $0xFFFFC000;
	s6 =	smov.u32 s25;
	s9 =	sadd.s32 $0x80, s25  }
0x61: {  	p0 =	sne.s32 s25, $0x2700;
	s25 =	sadd.s32 s2, s26  }
0x62: {  	[tilespmem:s30], [sflag:$0x2] =	stream.linear.gather [hbm4b:s25+s4], $0x80, $0x38;
	[tilespmem:$0x1A800] =	vst v63  }
0x63: {  	_ =	swait.ge [sflag:s28], $0x80  }
0x64: {  	[sflag:s28] =	ssyncset.done $0x0  }
0x65: {  	[sflag:s28] =	ssyncadd.s32 $0xFFFFFF80  }
0x66: {  	[tilespmem:s29], [sflag:$0x1] =	stream.indirect.gather [hbm4b:s5+s24], $0x80, s1, s24, $0xb8;
	[tilespmem:$0x1A800] =	vst v63  }
0x67: {  	_ =	swait.ge [sflag:s31], $0x4000  }
.Ltmp1:
0x68: {  	s25 =	sand.u32 $0x3C00, s6;
	[sflag:s31] =	ssyncset.done $0x0;
	(pc) =	sbr.rel @p0 .LBB2_4-.Ltmp1, $4  }
0x69: {  	s6 =	sand.u32 $0x380, s6;
	s25 =	sadd.s32 s7, s25;
	[sflag:s31] =	ssyncadd.s32 $0xFFFFC000  }
0x6a: {  	[spmem:s3] =	stream.indirect.scatter.add.f32 [tilespmem:s29], [sflag:$0x2], $0x80, s30, s24, $0xb8;
	[tilespmem:$0x1A800] =	vst v63  }
0x6b: {  	s26 =	sor.u32 s6, s25;
	_ =	swait.ge [sflag:s28], $0x4000  }
0x6c: {  	s25 =	smov.u32 s9;
	s1 =	sadd.s32 $0x80, s1;
	[sflag:s28] =	ssyncset.done $0x0  }
0x6d: {  	s6 =	sshrl.u32 s26, $0x3  }
0x6e: {  	[sflag:s28] =	ssyncadd.s32 $0xFFFFC000;
	s6 =	sadd.s32 s2, s6  }
0x6f: {  	[tilespmem:s30], [sflag:$0x2] =	stream.linear.gather [hbm4b:s6+s4], $0x80, $0x38;
	[tilespmem:$0x1A800] =	vst v63  }
0x70: {  	_ =	swait.ge [sflag:s28], $0x80  }
0x71: {  	[sflag:s28] =	ssyncset.done $0x0  }
0x72: {  	[sflag:s28] =	ssyncadd.s32 $0xFFFFFF80  }
0x73: {  	[tilespmem:s29], [sflag:$0x1] =	stream.indirect.gather [hbm4b:s5+s24], $0x80, s1, s24, $0xb8;
	[tilespmem:$0x1A800] =	vst v63  }
0x74: {  	_ =	swait.ge [sflag:s31], $0x4000  }
0x75: {  	[sflag:s31] =	ssyncset.done $0x0  }
0x76: {  	[sflag:s31] =	ssyncadd.s32 $0xFFFFC000  }
0x77: {  	[spmem:s3] =	stream.indirect.scatter.add.f32 [tilespmem:s29], [sflag:$0x2], $0x80, s30, s24, $0xb8;
	[tilespmem:$0x1A800] =	vst v63  }
0x78: {  	_ =	swait.ge [sflag:s28], $0x4000  }
0x79: {  	[sflag:s28] =	ssyncset.done $0x0  }
0x7a: {  	[sflag:s28] =	ssyncadd.s32 $0xFFFFC000  }
0x7b: {  	[bflag:$0x0] =	sbarrier.arrive $0xFFFF  }
0x7c: {  	[tilespmem:s29], [sflag:$0x2] =	stream.linear.gather [spmem:s8], $0x4000, $0x38;
	[tilespmem:$0x1A800] =	vst v63  }
0x7d: {  	_ =	swait.ge [sflag:s28], $0x4000  }
0x7e: {  	[sflag:s28] =	ssyncset.done $0x0  }
0x7f: {  	[sflag:s28] =	ssyncadd.s32 $0xFFFFC000  }
0x80: {  	[hbm4b:s19+s4] =	stream.linear.scatter [tilespmem:s29], [sflag:$0x2], $0x4000, $0x38;
	[tilespmem:$0x1A800] =	vst v63  }
0x81: {  	_ =	swait.ge [sflag:s28], $0x4000  }
0x82: {  	[sflag:s28] =	ssyncset.done $0x0  }
0x83: {  	[sflag:s28] =	ssyncadd.s32 $0xFFFFC000  }
0x84: {  	[tilespmem:s29], [sflag:$0x2] =	stream.linear.gather [spmem:s12], $0x4000, $0x38;
	[tilespmem:$0x1A800] =	vst v63  }
0x85: {  	_ =	swait.ge [sflag:s28], $0x4000  }
0x86: {  	[sflag:s28] =	ssyncset.done $0x0  }
0x87: {  	[sflag:s28] =	ssyncadd.s32 $0xFFFFC000  }
0x88: {  	[hbm4b:s20+s4] =	stream.linear.scatter [tilespmem:s29], [sflag:$0x2], $0x4000, $0x38;
	[tilespmem:$0x1A800] =	vst v63  }
0x89: {  	_ =	swait.ge [sflag:s28], $0x4000  }
0x8a: {  	[sflag:s28] =	ssyncset.done $0x0  }
0x8b: {  	[sflag:s28] =	ssyncadd.s32 $0xFFFFC000  }
0x8c: {  	[tilespmem:s29], [sflag:$0x2] =	stream.linear.gather [spmem:s14], $0x4000, $0x38;
	[tilespmem:$0x1A800] =	vst v63  }
0x8d: {  	_ =	swait.ge [sflag:s28], $0x4000  }
0x8e: {  	[sflag:s28] =	ssyncset.done $0x0  }
0x8f: {  	[sflag:s28] =	ssyncadd.s32 $0xFFFFC000  }
0x90: {  	[hbm4b:s21+s4] =	stream.linear.scatter [tilespmem:s29], [sflag:$0x2], $0x4000, $0x38;
	[tilespmem:$0x1A800] =	vst v63  }
0x91: {  	_ =	swait.ge [sflag:s28], $0x4000  }
0x92: {  	[sflag:s28] =	ssyncset.done $0x0  }
0x93: {  	[sflag:s28] =	ssyncadd.s32 $0xFFFFC000  }
0x94: {  	[tilespmem:s29], [sflag:$0x2] =	stream.linear.gather [spmem:s16], $0x4000, $0x38;
	[tilespmem:$0x1A800] =	vst v63  }
0x95: {  	_ =	swait.ge [sflag:s28], $0x4000  }
0x96: {  	[sflag:s28] =	ssyncset.done $0x0  }
0x97: {  	[sflag:s28] =	ssyncadd.s32 $0xFFFFC000  }
0x98: {  	[hbm4b:s22+s4] =	stream.linear.scatter [tilespmem:s29], [sflag:$0x2], $0x4000, $0x38;
	[tilespmem:$0x1A800] =	vst v63  }
0x99: {  	_ =	swait.ge [sflag:s28], $0x4000  }
0x9a: {  	[sflag:s28] =	ssyncset.done $0x0  }
0x9b: {  	[sflag:s28] =	ssyncadd.s32 $0xFFFFC000  }
0x9c: {  	[tilespmem:s29], [sflag:$0x2] =	stream.linear.gather [spmem:s18], $0x4000, $0x38;
	[tilespmem:$0x1A800] =	vst v63  }
0x9d: {  	_ =	swait.ge [sflag:s28], $0x4000  }
0x9e: {  	[sflag:s28] =	ssyncset.done $0x0  }
0x9f: {  	[sflag:s28] =	ssyncadd.s32 $0xFFFFC000  }
0xa0: {  	[hbm4b:s23+s4] =	stream.linear.scatter [tilespmem:s29], [sflag:$0x2], $0x4000, $0x38;
	[tilespmem:$0x1A800] =	vst v63  }
0xa1: {  	_ =	swait.ge [sflag:s28], $0x4000  }
0xa2: {  	s0 =	sadd.s32 $0x1, s0;
	s26 =	rddreg [dreg:$0x5]  }
0xa3: {  	p0 =	sne.s32 s0, s26  }
.Ltmp2:
0xa4: {  	_ = 	snop;
	(pc) =	sbr.rel @p0 .LBB2_1-.Ltmp2, $3  }
0xa5: {  	_ =	sdelay $0x1  }
0xa6: {  	[sflag:s28] =	ssyncset.done $0x0  }
0xa7: {  	[sflag:s28] =	ssyncadd.s32 $0xFFFFC000  }
0xa8: {  	_ =	sfence.sel $0x180000  }
0xa9: {  	[bflag:$0x0] =	sbarrier.arrive $0xFFFF  }
0xaa: {  	_ =	strace $0x9000004D  }
0xab: {  	s0 =	stileid.u32;
	[bflag:$0x2] =	sbarrier.arrive $0xFFFF  }
0xac: {  	p0 =	sne.s32 s0, $0x0;
	s0 =	rddreg [dreg:$0x3]  }
0xad: {  	s0 =	sadd.s32 @!p0 $0x100000, s0  }
0xae: {  	[sflag:s0] =	ssyncadd.tile.s32 @!p0 $0x1;
	_ =	shalt  }
.Lfunc_end2:
_tile_overlayer_lowered:
.L_overlay_start_2:
0xaf: {  	(tag) =	ssettag $0x2  }
0xb0: {  	s0 =	rddreg [dreg:$0x0];
	s2 =	stileid.u32  }
0xb1: {  	s1 =	rddreg [dreg:$0x1];
	p0 =	sne.s32 s2, $0x0  }
0xb2: {  	s3 =	rddreg [dreg:$0x2];
	[bflag:$0x3] =	sbarrier.arrive $0xFFFF;
	s2 =	simm.s32 @!p0 $0x1C02  }
0xb3: {  	[timem:s3], [sflag:s2] =	dma.local @!p0 [hbm:s0], s1  }
0xb4: {  	s0 =	simm.s32 @!p0 $0x2  }
0xb5: {  	_ =	swait.ge @!p0 [sflag:s0], s1  }
0xb6: {  	s1 =	ssub.s32 @!p0 $0x0, s1;
	[sflag:s0] =	ssyncset.done @!p0 $0x0  }
0xb7: {  	[sflag:s0] =	ssyncadd.s32 @!p0 s1  }
0xb8: {  	[bflag:$0x3] =	sbarrier.arrive $0xFFFF  }
0xb9: {  	_ =	shalt  }

// kernel: kernel.8.cloned.1.call-start
scs
__scs_entry_jumppad:
0x0: {  	(pc) =	sbr.rel $0x88, $3  }
0x1: {  	(tag) =	ssettag $0x0;
	lr =	simm.s32 $0x1  }
0x2: {  	[smem:$0x3F9B] =	sst lr;
	_ =	strace $0xD0000000  }
0x3: {  	_ = 	snop  }
0x4: {  	_ = 	snop  }
0x5: {  	_ = 	snop  }
0x6: {  	_ = 	snop  }
0x7: {  	_ = 	snop  }
__scs_overlays_trampoline_lowered:
0x8: {  	[smem:$0x3FAA] =	sst s0  }
0x9: {  	[smem:$0x3FAB] =	sst s1  }
0xa: {  	[smem:$0x3FAC] =	sst s2  }
0xb: {  	[smem:$0x3FAD] =	sst s3  }
0xc: {  	[smem:$0x3FAE] =	sst s4  }
0xd: {  	[smem:$0x3FAF] =	sst s5  }
0xe: {  	[smem:$0x3FB0] =	sst s6  }
0xf: {  	[smem:$0x3FB1] =	sst s7  }
0x10: {  	[smem:$0x3FB2] =	sst s8  }
0x11: {  	[smem:$0x3FB3] =	sst s9;
	s0 =	simm.s32 @!p0 $0x0  }
0x12: {  	s1 =	sld [smem:$0x3F99];
	s0 =	simm.s32 @p0 $0x1  }
0x13: {  	[smem:$0x3FB4] =	sst s0;
	s0 =	simm.s32 @!p1 $0x0  }
0x14: {  	s2 =	sld [smem:$0x3F98];
	s0 =	simm.s32 @p1 $0x1  }
0x15: {  	[smem:$0x3FB5] =	sst s0;
	s0 =	simm.s32 @!p2 $0x0  }
0x16: {  	s3 =	sld [smem:$0x3FDB];
	s0 =	simm.s32 @p2 $0x1  }
0x17: {  	s4 =	simm.s32 $0x1BF5;
	[smem:$0x3FB7] =	sst s0  }
0x18: {  	s0 =	sld [smem:$0x3F9A];
	_ =	swait.ge [sflag:s4], $0x0  }
0x19: {  	s7 =	sld [smem:$0x3F9B]  }
0x1a: {  	s8 =	sadd.s32 $0xFFFFE003, lr  }
0x1b: {  	s9 =	sadd.s32 $0xFFFFFEF7, lr;
	s5 =	simm.s32 $0xFFFFFFFF;
	p2 =	slt.u32 s8, $0xFFFFF086  }
0x1c: {  	p1 =	slt.u32 s9, $0xF7A;
	s5 =	simm.s32 @!p2 $0x0  }
0x1d: {  	s5 =	simm.s32 @p1 $0x1;
	p0 =	seq.s32 s7, s2  }
0x1e: {  	s7 =	smul.u32 @!p0 $0xF7A, s2;
	p2 =	seq.s32 @!p0 s5, $0x0  }
0x1f: {  	s9 =	smul.u32 $0xF7A, s1;
	s8 =	simm.s32 @!p0 $0x1BF5;
	p2 =	por !p2, p0  }
0x20: {  	[sflag:s8] =	ssyncset.s32 @!p0 $0xFFFFF086;
	s6 =	sadd.s32 @!p0 s3, s7;
	s7 =	simm.s32 @!p0 $0x108  }
0x21: {  	s3 =	sadd.s32 s3, s9;
	s6 =	sadd.s32 @!p0 $0x88, s6;
	s7 =	simm.s32 @p2 $0x1082  }
0x22: {  	[simem:s7], [sflag:s8] =	dma.local @!p0 [hbm:s6], $0xF7A  }
0x23: {  	s9 =	sor.u32 $0xD0000000, s2;
	s6 =	simm.s32 $0x108;
	_ =	swait.ge @!p0 [sflag:s8], $0x0  }
0x24: {  	s3 =	sadd.s32 $0x88, s3;
	s6 =	simm.s32 @!p1 $0x1082;
	[sflag:s4] =	ssyncset.s32 $0xFFFFF086  }
0x25: {  	[simem:s6], [sflag:s4] =	dma.local [hbm:s3], $0xF7A  }
0x26: {  	[smem:$0x3F9B] =	sst s1;
	(tag) =	ssettag s2;
	_ =	strace s9  }
0x27: {  	s1 =	sld [smem:$0x3FAB]  }
0x28: {  	s2 =	sld [smem:$0x3FAC]  }
0x29: {  	s4 =	sld [smem:$0x3FAE]  }
0x2a: {  	p0 =	seq.s32 s5, $0x0;
	s5 =	sld [smem:$0x3FAF]  }
0x2b: {  	s6 =	sld [smem:$0x3FB0]  }
0x2c: {  	s7 =	sld [smem:$0x3FB1]  }
0x2d: {  	s3 =	simm.s32 $0x108;
	s8 =	sld [smem:$0x3FB2]  }
0x2e: {  	s3 =	simm.s32 @!p0 $0x1082;
	s9 =	sld [smem:$0x3FB3]  }
0x2f: {  	lr =	sadd.s32 s0, s3;
	s0 =	sld [smem:$0x3FAA]  }
0x30: {  	s3 =	sld [smem:$0x3FAD]  }
0x31: {  	[smem:$0x3FB6] =	sst s10  }
0x32: {  	s10 =	sld [smem:$0x3FB4];
	_ =	sdelay $0x3  }
0x33: {  	p0 =	seq.s32 s10, $0x1;
	s10 =	sld [smem:$0x3FB6];
	_ =	sdelay $0x3  }
0x34: {  	[smem:$0x3FB6] =	sst s10  }
0x35: {  	s10 =	sld [smem:$0x3FB5];
	_ =	sdelay $0x3  }
0x36: {  	p1 =	seq.s32 s10, $0x1;
	s10 =	sld [smem:$0x3FB6];
	_ =	sdelay $0x3  }
0x37: {  	[smem:$0x3FB6] =	sst s10  }
0x38: {  	s10 =	sld [smem:$0x3FB7]  }
0x39: {  	_ = 	snop;
	(pc) =	sbr.ind lr, $3  }
0x3a: {  	_ = 	snop  }
0x3b: {  	_ = 	snop  }
0x3c: {  	p2 =	seq.s32 s10, $0x1;
	s10 =	sld [smem:$0x3FB6]  }
0x3d: {  	_ =	shalt  }
0x3e: {  	_ =	shalt  }
0x3f: {  	_ =	shalt  }
0x40: {  	_ =	shalt  }
0x41: {  	_ =	shalt  }
0x42: {  	_ =	shalt  }
0x43: {  	_ =	shalt  }
0x44: {  	_ =	shalt  }
0x45: {  	_ =	shalt  }
0x46: {  	_ =	shalt  }
0x47: {  	_ =	shalt  }
0x48: {  	_ =	shalt  }
0x49: {  	_ =	shalt  }
0x4a: {  	_ =	shalt  }
0x4b: {  	_ =	shalt  }
0x4c: {  	_ =	shalt  }
0x4d: {  	_ =	shalt  }
0x4e: {  	_ =	shalt  }
0x4f: {  	_ =	shalt  }
0x50: {  	_ =	shalt  }
0x51: {  	_ =	shalt  }
0x52: {  	_ =	shalt  }
0x53: {  	_ =	shalt  }
0x54: {  	_ =	shalt  }
0x55: {  	_ =	shalt  }
0x56: {  	_ =	shalt  }
0x57: {  	_ =	shalt  }
0x58: {  	_ =	shalt  }
0x59: {  	_ =	shalt  }
0x5a: {  	_ =	shalt  }
0x5b: {  	_ =	shalt  }
0x5c: {  	_ =	shalt  }
0x5d: {  	_ =	shalt  }
0x5e: {  	_ =	shalt  }
0x5f: {  	_ =	shalt  }
0x60: {  	_ =	shalt  }
0x61: {  	_ =	shalt  }
0x62: {  	_ =	shalt  }
0x63: {  	_ =	shalt  }
0x64: {  	_ =	shalt  }
0x65: {  	_ =	shalt  }
0x66: {  	_ =	shalt  }
0x67: {  	_ =	shalt  }
0x68: {  	_ =	shalt  }
0x69: {  	_ =	shalt  }
0x6a: {  	_ =	shalt  }
0x6b: {  	_ =	shalt  }
0x6c: {  	_ =	shalt  }
0x6d: {  	_ =	shalt  }
0x6e: {  	_ =	shalt  }
0x6f: {  	_ =	shalt  }
0x70: {  	_ =	shalt  }
0x71: {  	_ =	shalt  }
0x72: {  	_ =	shalt  }
0x73: {  	_ =	shalt  }
0x74: {  	_ =	shalt  }
0x75: {  	_ =	shalt  }
0x76: {  	_ =	shalt  }
0x77: {  	_ =	shalt  }
0x78: {  	_ =	shalt  }
0x79: {  	_ =	shalt  }
0x7a: {  	_ =	shalt  }
0x7b: {  	_ =	shalt  }
0x7c: {  	_ =	shalt  }
0x7d: {  	_ =	shalt  }
0x7e: {  	_ =	shalt  }
0x7f: {  	_ =	shalt  }
0x80: {  	_ =	shalt  }
0x81: {  	_ =	shalt  }
0x82: {  	_ =	shalt  }
0x83: {  	_ =	shalt  }
0x84: {  	_ =	shalt  }
0x85: {  	_ =	shalt  }
0x86: {  	_ =	shalt  }
0x87: {  	_ =	shalt  }
.Lfunc_end0:
.L_simem_size_0:
called_computation_lowered:
.L_overlay_start_0:
0x88: {  	s2 =	sld [smem:$0x3FD9]  }
0x89: {  	s3 =	sld [smem:$0x3FFE];
	_ =	sdelay $0x1  }
0x8a: {  	s1 =	srdreg.scid  }
0x8b: {  	s0 =	sand.u32 $0x1, s1  }
0x8c: {  	s17 =	sshll.u32 s0, $0xA;
	s2 =	sadd.s32 s3, s2  }
0x8d: {  	s2 =	sadd.s32 s2, s17  }
0x8e: {  	[smem:$0x3FC2] =	sst s2  }
0x8f: {  	_ = 	snop  }
0x90: {  	s2 =	sld [smem:$0x3FD0];
	(tm) =	ssettm $0x1  }
0x91: {  	s18 =	sld [smem:$0x3FFB];
	_ =	sdelay $0x3  }
0x92: {  	_ =	strace s18  }
0x93: {  	s3 =	sld [smem:$0x3FFC];
	_ =	sdelay $0x3  }
0x94: {  	_ =	strace s3  }
0x95: {  	s3 =	sld [smem:$0x3FFD];
	_ =	sdelay $0x3  }
0x96: {  	_ =	strace s3  }
0x97: {  	_ =	strace $0x8FFFFFFF  }
0x98: {  	s19 =	sld [smem:$0x3FDB];
	_ =	sdelay $0x1  }
0x99: {  	s4 =	simm.s32 $_scs_section_size  }
0x9a: {  	s5 =	simm.s32 $_size__tile_overlayer_lowered;
	s6 =	simm.s32 $_tile_overlayer_lowered  }
0x9b: {  	s22 =	simm.s32 $0x1BFF;
	s21 =	sshll.u32 s6, $0x1;
	s3 =	sadd.s32 s4, s19  }
0x9c: {  	s7 =	simm.s32 $0x0;
	s20 =	sshll.u32 s5, $0x1;
	s5 =	sadd.s32 s21, s3  }
0x9d: {  	[timem:s7], [sflag:s22] =	dma.local [hbm:s5], s20  }
0x9e: {  	_ =	swait.ge [sflag:s22], s20  }
0x9f: {  	s4 =	ssub.s32 $0x0, s20;
	[sflag:s22] =	ssyncset.done $0x0  }
0xa0: {  	[sflag:s22] =	ssyncadd.s32 s4;
	_ =	sdelay $0x1  }
0xa1: {  	s23 =	simm.s32 $0x1B8B  }
0xa2: {  	_ =	swait.ge [sflag:s23], $0x1  }
0xa3: {  	[sflag:s23] =	ssyncset.done $0x0  }
0xa4: {  	s25 =	simm.s32 $0x1B8E;
	s24 =	sld [smem:$0x3FFE];
	[sflag:s23] =	ssyncadd.s32 $0xFFFFFFFF  }
0xa5: {  	s26 =	simm.s32 $execute0_lowered;
	[smem:$0x3FD2] =	sst s25  }
0xa6: {  	s5 =	sshll.u32 s26, $0x1;
	_ =	strace $0x80000046;
	[dreg:$0x1] =	wrdreg $0xFFFFFFFF  }
0xa7: {  	s28 =	simm.s32 $_size_execute0_lowered;
	s3 =	sadd.s32 s3, s5;
	[dreg:$0x0] =	wrdreg $0x0  }
0xa8: {  	s5 =	sshll.u32 s28, $0x1;
	[dreg:$0x2] =	wrdreg s3  }
0xa9: {  	[dreg:$0x3] =	wrdreg s5  }
0xaa: {  	[dreg:$0x4] =	wrdreg $0xC0  }
0xab: {  	_ =	task [dreg:s7], $0x5FFFF  }
0xac: {  	[dreg:$0x1] =	wrdreg $0xFFFFFFFF  }
0xad: {  	[dreg:$0x0] =	wrdreg $0x60  }
0xae: {  	[dreg:$0x2] =	wrdreg s2  }
0xaf: {  	[dreg:$0x3] =	wrdreg s24  }
0xb0: {  	[dreg:$0x4] =	wrdreg $0x0  }
0xb1: {  	[dreg:$0x5] =	wrdreg $0x9  }
0xb2: {  	_ =	task.clear_ibuf [dreg:s7], $0x6FFFF;
	_ =	strace $0x90000046  }
0xb3: {  	s29 =	simm.s32 $0x9;
	_ =	strace $0x80000048  }
0xb4: {  	_ =	swait.ge [sflag:s29], $0x1  }
0xb5: {  	[sflag:s29] =	ssyncadd.s32 $0xFFFFFFFF  }
0xb6: {  	_ =	strace $0x90000048  }
0xb7: {  	_ =	sfence  }
0xb8: {  	s30 =	sld [smem:$0x0];
	_ =	sdelay $0x2  }
0xb9: {  	s31 =	sshll.u32 s1, $0xD;
	s1 =	sshrl.u32 s1, $0x2  }
0xba: {  	s3 =	sand.u32 $0x4000, s31;
	s1 =	sadd.s32 s1, s30  }
0xbb: {  	s0 =	sor.u32 s3, s0;
	s1 =	sshll.u32 s1, $0x11  }
0xbc: {  	s0 =	sor.u32 s1, s0  }
0xbd: {  	s0 =	sadd.s32 $0x8F2B, s0  }
0xbe: {  	[sflag:s0] =	ssyncadd.remote.s32 $0x1  }
0xbf: {  	_ =	sfence.sel $0xFFFF  }
0xc0: {  	[dreg:$0x0] =	wrdreg $0xFFFFFFFF;
	(pc) =	sbr.abs _section_cstart, $3  }
0xc1: {  	[dreg:$0x1] =	wrdreg $0xFFFFFFFF  }
0xc2: {  	_ =	task.clear_ibuf [dreg:s7], $0x2FFFF;
	_ =	strace $0x9FFFFFFF  }
0xc3: {  	(tm) =	ssettm $0x7FFFFFFF  }
tec
execute0_lowered:
.L_overlay_start_1:
0x0: {  	(tag) =	ssettag $0x1  }
0x1: {  	s1 =	rddreg [dreg:$0x0]  }
0x2: {  	s5 =	rddreg [dreg:$0x1];
	s2 =	stileid.u32  }
0x3: {  	s3 =	rddreg [dreg:$0x2];
	s29 =	smul.u32 $0x50000, s2  }
0x4: {  	s6 =	srdreg.scid;
	s20 =	sadd.s32 $0x1E00, s5;
	s5 =	smul.u32 $0x2800, s2  }
0x5: {  	s4 =	simm.s32 $0x0;
	s22 =	sand.u32 $0x1, s6;
	s17 =	smul.u32 $0x14000, s2  }
0x6: {  	s26 =	simm.s32 $0x80;
	s28 =	simm.s32 $0x0;
	s24 =	smul.u32 $0x28, s22  }
0x7: {  	[smem:$0x7FF] =	sst s4;
	s7 =	ssub.s32 $0x2, s22;
	s8 =	smul.u32 $0x27, s22  }
0x8: {  	_ =	strace $0x80000047;
	s18 =	smul.u32 $0x140000, s22;
	s9 =	sshrl.u32 s7, $0x1  }
0x9: {  	s6 =	sshrl.u32 s29, $0x2;
	s13 =	sadd.s32 $0x4000, s17;
	s15 =	sadd.s32 $0x8000, s17  }
0xa: {  	s19 =	sadd.s32 $0xC000, s17;
	s23 =	sadd.s32 $0x10000, s17;
	s7 =	ssub.s32 s7, s9  }
0xb: {  	s6 =	sadd.s32 s6, s3;
	s25 =	sadd.s32 $0x28, s8;
	s12 =	sadd.s32 s18, s17  }
0xc: {  	s14 =	sadd.s32 s18, s13;
	s13 =	sadd.s32 s13, s3;
	s16 =	sadd.s32 s18, s15  }
0xd: {  	s15 =	sadd.s32 s15, s3;
	s21 =	sadd.s32 s18, s19;
	s17 =	sadd.s32 s19, s3  }
0xe: {  	s31 =	sadd.s32 s18, s23;
	s19 =	sadd.s32 s23, s3;
	s23 =	simm.s32 $0x14080  }
0xf: {  	s7 =	smax.u32 s7, $0x1;
	s8 =	sadd.s32 $0x4000, s6;
	s9 =	sadd.s32 $0x8000, s6  }
0x10: {  	s10 =	sadd.s32 $0xC000, s6;
	s11 =	sadd.s32 $0x10000, s6;
	s12 =	sshrl.u32 s12, $0x3  }
.Ltmp0:
0x11: {  	s14 =	sshrl.u32 s14, $0x3;
	s16 =	sshrl.u32 s16, $0x3;
	(pc) =	sbr.rel .LBB2_1-.Ltmp0, $4  }
0x12: {  	s30 =	sshrl.u32 s21, $0x3;
	s21 =	sshrl.u32 s31, $0x3;
	p0 =	sge.u32 s24, s25  }
0x13: {  	s24 =	simm.s32 $0x1;
	s25 =	simm.s32 $0x14000;
	s12 =	sadd.s32 s20, s12  }
0x14: {  	s14 =	sadd.s32 s20, s14;
	s16 =	sadd.s32 s20, s16;
	s18 =	sadd.s32 s20, s30  }
0x15: {  	v0 =	vimm.f32 $0.0e+00;
	v1 =	vimm.f32 $1.000000000e+00;
	s20 =	sadd.s32 s20, s21;
	s21 =	ssub.s32 $0x28, s22;
	s22 =	smul.u32 $0x1400, s22  }
.LBB2_9:
0x16: {  	s0 =	sshrl.u32 s31, $0x3  }
0x17: {  	[sflag:s24] =	ssyncadd.s32 @p1 $0xFFFFC000;
	s0 =	sadd.s32 s1, s0  }
0x18: {  	[tilespmem:s25], [sflag:$0x1] =	stream.linear.gather [hbm4b:s0+s4], $0x80, $0x38;
	[tilespmem:$0x18080] =	vst v63  }
0x19: {  	_ =	swait.ge [sflag:s24], $0x80  }
0x1a: {  	[sflag:s24] =	ssyncset.done $0x0  }
0x1b: {  	[sflag:s24] =	ssyncadd.s32 $0xFFFFFF80  }
0x1c: {  	[spmem:s3] =	stream.indirect.scatter.add.f32 [tilespmem:s23], [sflag:$0x1], $0x80, s25, s26, $0xb8;
	[tilespmem:$0x18080] =	vst v63  }
0x1d: {  	_ =	swait.ge [sflag:s24], $0x4000  }
0x1e: {  	[sflag:s24] =	ssyncset.done $0x0  }
0x1f: {  	[sflag:s24] =	ssyncadd.s32 $0xFFFFC000  }
.LBB2_10:
0x20: {  	[bflag:$0x0] =	sbarrier.arrive $0xFFFF  }
0x21: {  	[tilespmem:s23], [sflag:$0x1] =	stream.linear.gather [spmem:s6], $0x4000, $0x38;
	[tilespmem:$0x18080] =	vst v63  }
0x22: {  	_ =	swait.ge [sflag:s24], $0x4000  }
0x23: {  	[sflag:s24] =	ssyncset.done $0x0  }
0x24: {  	[sflag:s24] =	ssyncadd.s32 $0xFFFFC000  }
0x25: {  	[hbm4b:s12+s4] =	stream.linear.scatter [tilespmem:s23], [sflag:$0x1], $0x4000, $0x38;
	[tilespmem:$0x18080] =	vst v63  }
0x26: {  	_ =	swait.ge [sflag:s24], $0x4000  }
0x27: {  	[sflag:s24] =	ssyncset.done $0x0  }
0x28: {  	[sflag:s24] =	ssyncadd.s32 $0xFFFFC000  }
0x29: {  	[tilespmem:s23], [sflag:$0x1] =	stream.linear.gather [spmem:s13], $0x4000, $0x38;
	[tilespmem:$0x18080] =	vst v63  }
0x2a: {  	_ =	swait.ge [sflag:s24], $0x4000  }
0x2b: {  	[sflag:s24] =	ssyncset.done $0x0  }
0x2c: {  	[sflag:s24] =	ssyncadd.s32 $0xFFFFC000  }
0x2d: {  	[hbm4b:s14+s4] =	stream.linear.scatter [tilespmem:s23], [sflag:$0x1], $0x4000, $0x38;
	[tilespmem:$0x18080] =	vst v63  }
0x2e: {  	_ =	swait.ge [sflag:s24], $0x4000  }
0x2f: {  	[sflag:s24] =	ssyncset.done $0x0  }
0x30: {  	[sflag:s24] =	ssyncadd.s32 $0xFFFFC000  }
0x31: {  	[tilespmem:s23], [sflag:$0x1] =	stream.linear.gather [spmem:s15], $0x4000, $0x38;
	[tilespmem:$0x18080] =	vst v63  }
0x32: {  	_ =	swait.ge [sflag:s24], $0x4000  }
0x33: {  	[sflag:s24] =	ssyncset.done $0x0  }
0x34: {  	[sflag:s24] =	ssyncadd.s32 $0xFFFFC000  }
0x35: {  	[hbm4b:s16+s4] =	stream.linear.scatter [tilespmem:s23], [sflag:$0x1], $0x4000, $0x38;
	[tilespmem:$0x18080] =	vst v63  }
0x36: {  	_ =	swait.ge [sflag:s24], $0x4000  }
0x37: {  	[sflag:s24] =	ssyncset.done $0x0  }
0x38: {  	[sflag:s24] =	ssyncadd.s32 $0xFFFFC000  }
0x39: {  	[tilespmem:s23], [sflag:$0x1] =	stream.linear.gather [spmem:s17], $0x4000, $0x38;
	[tilespmem:$0x18080] =	vst v63  }
0x3a: {  	_ =	swait.ge [sflag:s24], $0x4000  }
0x3b: {  	[sflag:s24] =	ssyncset.done $0x0  }
0x3c: {  	[sflag:s24] =	ssyncadd.s32 $0xFFFFC000  }
0x3d: {  	[hbm4b:s18+s4] =	stream.linear.scatter [tilespmem:s23], [sflag:$0x1], $0x4000, $0x38;
	[tilespmem:$0x18080] =	vst v63  }
0x3e: {  	_ =	swait.ge [sflag:s24], $0x4000  }
0x3f: {  	[sflag:s24] =	ssyncset.done $0x0  }
0x40: {  	[sflag:s24] =	ssyncadd.s32 $0xFFFFC000  }
0x41: {  	[tilespmem:s23], [sflag:$0x1] =	stream.linear.gather [spmem:s19], $0x4000, $0x38;
	[tilespmem:$0x18080] =	vst v63  }
0x42: {  	s28 =	sadd.s32 $0x1, s28;
	_ =	swait.ge [sflag:s24], $0x4000  }
0x43: {  	p1 =	sne.s32 s28, s7;
	[sflag:s24] =	ssyncset.done $0x0  }
.Ltmp1:
0x44: {  	[sflag:s24] =	ssyncadd.s32 $0xFFFFC000;
	(pc) =	sbr.rel @!p1 .LBB2_11-.Ltmp1, $4  }
0x45: {  	[hbm4b:s20+s4] =	stream.linear.scatter [tilespmem:s23], [sflag:$0x1], $0x4000, $0x38;
	[tilespmem:$0x18080] =	vst v63  }
0x46: {  	_ =	swait.ge [sflag:s24], $0x4000  }
0x47: {  	[sflag:s24] =	ssyncset.done $0x0  }
0x48: {  	[sflag:s24] =	ssyncadd.s32 $0xFFFFC000  }
.LBB2_1:
0x49: {  	s29 =	simm.s32 $0x0;
	s30 =	simm.s32 $0x200  }
.LBB2_2:
0x4a: {  	p1 =	sne.s32 s30, $0xFE00;
	[tilespmem:s29+$0x140F0] =	vst v0  }
0x4b: {  	[tilespmem:s29+$0x14080] =	vst v0  }
0x4c: {  	[tilespmem:s29+$0x14090] =	vst v0  }
.Ltmp2:
0x4d: {  	[tilespmem:s29+$0x140A0] =	vst v0;
	(pc) =	sbr.rel @p1 .LBB2_2-.Ltmp2, $4  }
0x4e: {  	[tilespmem:s29+$0x140B0] =	vst v0  }
0x4f: {  	[tilespmem:s29+$0x140C0] =	vst v0  }
0x50: {  	[tilespmem:s29+$0x140D0] =	vst v0  }
0x51: {  	[tilespmem:s29+$0x140E0] =	vst v0;
	s29 =	sshra.s32 s30, $0x2;
	s30 =	sadd.s32 $0x200, s30  }
0x52: {  	[tilespmem:s29+$0x140F0] =	vst v0  }
0x53: {  	[tilespmem:s29+$0x14080] =	vst v0  }
0x54: {  	[tilespmem:s29+$0x14090] =	vst v0  }
0x55: {  	[tilespmem:s29+$0x140A0] =	vst v0  }
0x56: {  	[tilespmem:s29+$0x140B0] =	vst v0  }
0x57: {  	[tilespmem:s29+$0x140C0] =	vst v0  }
0x58: {  	[tilespmem:s29+$0x140D0] =	vst v0  }
0x59: {  	[tilespmem:s29+$0x140E0] =	vst v0  }
0x5a: {  	[spmem:s6] =	stream.linear.scatter [tilespmem:s23], [sflag:$0x1], $0x4000, $0x38;
	[tilespmem:$0x18080] =	vst v63  }
0x5b: {  	_ =	swait.ge [sflag:s24], $0x4000  }
0x5c: {  	[sflag:s24] =	ssyncset.done $0x0  }
0x5d: {  	[sflag:s24] =	ssyncadd.s32 $0xFFFFC000  }
0x5e: {  	[spmem:s8] =	stream.linear.scatter [tilespmem:s23], [sflag:$0x1], $0x4000, $0x38;
	[tilespmem:$0x18080] =	vst v63  }
0x5f: {  	_ =	swait.ge [sflag:s24], $0x4000  }
0x60: {  	[sflag:s24] =	ssyncset.done $0x0  }
0x61: {  	[sflag:s24] =	ssyncadd.s32 $0xFFFFC000  }
0x62: {  	[spmem:s9] =	stream.linear.scatter [tilespmem:s23], [sflag:$0x1], $0x4000, $0x38;
	[tilespmem:$0x18080] =	vst v63  }
0x63: {  	_ =	swait.ge [sflag:s24], $0x4000  }
0x64: {  	[sflag:s24] =	ssyncset.done $0x0  }
0x65: {  	[sflag:s24] =	ssyncadd.s32 $0xFFFFC000  }
0x66: {  	[spmem:s10] =	stream.linear.scatter [tilespmem:s23], [sflag:$0x1], $0x4000, $0x38;
	[tilespmem:$0x18080] =	vst v63  }
0x67: {  	_ =	swait.ge [sflag:s24], $0x4000  }
0x68: {  	[sflag:s24] =	ssyncset.done $0x0  }
0x69: {  	[sflag:s24] =	ssyncadd.s32 $0xFFFFC000  }
0x6a: {  	[spmem:s11] =	stream.linear.scatter [tilespmem:s23], [sflag:$0x1], $0x4000, $0x38;
	[tilespmem:$0x18080] =	vst v63  }
0x6b: {  	_ =	swait.ge [sflag:s24], $0x4000  }
0x6c: {  	[sflag:s24] =	ssyncset.done $0x0  }
0x6d: {  	s29 =	simm.s32 $0x0;
	s30 =	simm.s32 $0x200;
	[sflag:s24] =	ssyncadd.s32 $0xFFFFC000  }
.LBB2_4:
0x6e: {  	p1 =	sne.s32 s30, $0xFE00;
	[tilespmem:s29+$0x140F0] =	vst v1  }
0x6f: {  	[tilespmem:s29+$0x14080] =	vst v1  }
0x70: {  	[tilespmem:s29+$0x14090] =	vst v1  }
.Ltmp3:
0x71: {  	[tilespmem:s29+$0x140A0] =	vst v1;
	(pc) =	sbr.rel @p1 .LBB2_4-.Ltmp3, $4  }
0x72: {  	[tilespmem:s29+$0x140B0] =	vst v1  }
0x73: {  	[tilespmem:s29+$0x140C0] =	vst v1  }
0x74: {  	[tilespmem:s29+$0x140D0] =	vst v1  }
0x75: {  	[tilespmem:s29+$0x140E0] =	vst v1;
	s29 =	sshra.s32 s30, $0x2;
	s30 =	sadd.s32 $0x200, s30  }
0x76: {  	[tilespmem:s29+$0x140F0] =	vst v1  }
0x77: {  	[tilespmem:s29+$0x14080] =	vst v1  }
0x78: {  	[tilespmem:s29+$0x14090] =	vst v1  }
0x79: {  	[tilespmem:s29+$0x140A0] =	vst v1  }
0x7a: {  	[tilespmem:s29+$0x140B0] =	vst v1  }
.Ltmp4:
0x7b: {  	[tilespmem:s29+$0x140C0] =	vst v1;
	(pc) =	sbr.rel @p0 .LBB2_10-.Ltmp4, $3  }
0x7c: {  	[tilespmem:s29+$0x140D0] =	vst v1  }
0x7d: {  	[tilespmem:s29+$0x140E0] =	vst v1  }
0x7e: {  	[bflag:$0x0] =	sbarrier.arrive $0xFFFF;
	_ =	sdelay $0x1  }
0x7f: {  	p2 =	sne.s32 s21, $0x1  }
.Ltmp5:
0x80: {  	_ = 	snop;
	(pc) =	sbr.rel @!p2 .LBB2_9-.Ltmp5, $4  }
0x81: {  	_ = 	snop  }
0x82: {  	s29 =	sand.u32 $0xFFFFFC00, s22  }
0x83: {  	s31 =	sand.u32 $0x380, s22;
	s29 =	sadd.s32 s5, s29  }
0x84: {  	s30 =	sadd.s32 $0xFFFFFFFF, s21;
	p1 =	por $0x0, $0x0;
	s31 =	sor.u32 s31, s29  }
0x85: {  	s29 =	sshrl.u32 s31, $0x3  }
0x86: {  	s29 =	sadd.s32 s1, s29  }
0x87: {  	[tilespmem:s25], [sflag:$0x1] =	stream.linear.gather [hbm4b:s29+s4], $0x80, $0x38;
	[tilespmem:$0x18080] =	vst v63  }
0x88: {  	p2 =	sne.s32 s30, $0x1;
	_ =	swait.ge [sflag:s24], $0x80  }
.Ltmp6:
0x89: {  	s29 =	sadd.s32 $0x80, s22;
	[sflag:s24] =	ssyncset.done $0x0;
	(pc) =	sbr.rel @!p2 .LBB2_9-.Ltmp6, $4  }
0x8a: {  	s30 =	sadd.s32 $0xFFFFFFFF, s30;
	s31 =	sand.u32 $0xFFFFFC00, s29;
	[sflag:s24] =	ssyncadd.s32 $0xFFFFFF80  }
0x8b: {  	[spmem:s3] =	stream.indirect.scatter.add.f32 [tilespmem:s23], [sflag:$0x1], $0x80, s25, s26, $0xb8;
	[tilespmem:$0x18080] =	vst v63  }
0x8c: {  	s0 =	sand.u32 $0x380, s29;
	s31 =	sadd.s32 s5, s31;
	_ =	swait.ge [sflag:s24], $0x4000  }
0x8d: {  	p1 =	por $0x1, $0x1;
	s31 =	sor.u32 s0, s31;
	[sflag:s24] =	ssyncset.done $0x0  }
.LBB2_8:
0x8e: {  	p2 =	sne.s32 s30, $0x1;
	s0 =	sshrl.u32 s31, $0x3;
	[sflag:s24] =	ssyncadd.s32 $0xFFFFC000  }
0x8f: {  	s30 =	sadd.s32 $0xFFFFFFFF, s30;
	s0 =	sadd.s32 s1, s0  }
0x90: {  	[tilespmem:s25], [sflag:$0x1] =	stream.linear.gather [hbm4b:s0+s4], $0x80, $0x38;
	[tilespmem:$0x18080] =	vst v63  }
0x91: {  	_ =	swait.ge [sflag:s24], $0x80  }
.Ltmp7:
0x92: {  	s29 =	sadd.s32 $0x80, s29;
	[sflag:s24] =	ssyncset.done $0x0;
	(pc) =	sbr.rel @p2 .LBB2_8-.Ltmp7, $4  }
0x93: {  	s0 =	sand.u32 $0xFFFFFC00, s29;
	[sflag:s24] =	ssyncadd.s32 $0xFFFFFF80  }
0x94: {  	[spmem:s3] =	stream.indirect.scatter.add.f32 [tilespmem:s23], [sflag:$0x1], $0x80, s25, s26, $0xb8;
	[tilespmem:$0x18080] =	vst v63  }
0x95: {  	s31 =	sand.u32 $0x380, s29;
	s0 =	sadd.s32 s5, s0;
	_ =	swait.ge [sflag:s24], $0x4000  }
0x96: {  	s31 =	sor.u32 s31, s0;
	[sflag:s24] =	ssyncset.done $0x0  }
.Ltmp8:
0x97: {  	_ = 	snop;
	(pc) =	sbr.rel .LBB2_9-.Ltmp8, $1  }
0x98: {  	_ =	sdelay $0x3  }
.LBB2_11:
0x99: {  	_ =	sfence.sel $0x180000  }
0x9a: {  	[bflag:$0x0] =	sbarrier.arrive $0xFFFF  }
0x9b: {  	_ =	strace $0x90000047  }
0x9c: {  	[bflag:$0x2] =	sbarrier.arrive $0xFFFF  }
0x9d: {  	p0 =	sne.s32 s2, $0x0;
	s0 =	rddreg [dreg:$0x3]  }
0x9e: {  	s0 =	sadd.s32 @!p0 $0x100000, s0  }
0x9f: {  	[sflag:s0] =	ssyncadd.tile.s32 @!p0 $0x1;
	_ =	shalt  }
.Lfunc_end2:
_tile_overlayer_lowered:
.L_overlay_start_2:
0xa0: {  	(tag) =	ssettag $0x2  }
0xa1: {  	s0 =	rddreg [dreg:$0x0];
	s2 =	stileid.u32  }
0xa2: {  	s1 =	rddreg [dreg:$0x1];
	p0 =	sne.s32 s2, $0x0  }
0xa3: {  	s3 =	rddreg [dreg:$0x2];
	[bflag:$0x3] =	sbarrier.arrive $0xFFFF;
	s2 =	simm.s32 @!p0 $0x1C01  }
0xa4: {  	[timem:s3], [sflag:s2] =	dma.local @!p0 [hbm:s0], s1  }
0xa5: {  	s0 =	simm.s32 @!p0 $0x1  }
0xa6: {  	_ =	swait.ge @!p0 [sflag:s0], s1  }
0xa7: {  	s1 =	ssub.s32 @!p0 $0x0, s1;
	[sflag:s0] =	ssyncset.done @!p0 $0x0  }
0xa8: {  	[sflag:s0] =	ssyncadd.s32 @!p0 s1  }
0xa9: {  	[bflag:$0x3] =	sbarrier.arrive $0xFFFF  }
0xaa: {  	_ =	shalt  }

</sc_bundles>
